<compile_context>
chip_gen: v7x
topology: tpu7x:2x2x1
jax: 0.10.2.dev20260603
libtpu: 0.0.44.dev20260713+nightly
codegen_flags: <defaults>
</compile_context>

<pallas_src>
import functools

import jax
import jax.numpy as jnp
from jax import lax
from jax.experimental import pallas as pl
from jax.experimental.pallas import tpu as pltpu
from jax.experimental.pallas import tpu_sc as plsc

N = 100000
F = 128
B = 50000
S = 10
E = 128

NC = 2
NS = 16
NW = NC * NS
CHUNK = 64
N_CHUNKS = 25
B_PER_W = CHUNK * N_CHUNKS
B_PAD = NW * B_PER_W
PAIR = 2 * B_PER_W
ROWS = CHUNK * S
NJ = 5
JW = ROWS // NJ
HALF = CHUNK + 8
REGION = 2 * HALF
NJ_PAD = 8
IDX_ROWS = NW * N_CHUNKS * NJ_PAD

_mesh = plsc.VectorSubcoreMesh(core_axis_name="c", subcore_axis_name="s")


@functools.partial(
    pl.kernel,
    mesh=_mesh,
    out_type=(
        jax.ShapeDtypeStruct((B_PAD, F), jnp.float32),
        jax.ShapeDtypeStruct((B_PAD, F), jnp.float32),
    ),
    scratch_types=(
        pltpu.VMEM((2, CHUNK), jnp.int32),
        pltpu.VMEM((2, CHUNK, F), jnp.float32),
        pltpu.VMEM((NJ, JW, F), jnp.float32),
        pltpu.VMEM((2, NJ_PAD, JW), jnp.int32),
        pltpu.VMEM((2, NJ_PAD, JW), jnp.int32),
        pltpu.VMEM((CHUNK, F), jnp.float32),
        pltpu.VMEM_SHARED((NS * REGION, F), jnp.float32),
        pltpu.SemaphoreType.DMA,
        pltpu.SemaphoreType.DMA,
        pltpu.SemaphoreType.DMA,
        pltpu.SemaphoreType.DMA,
        pltpu.SemaphoreType.DMA,
        pltpu.SemaphoreType.DMA,
        pltpu.SemaphoreType.DMA,
        pltpu.SemaphoreType.DMA,
        pltpu.SemaphoreType.DMA,
        pltpu.SemaphoreType.DMA,
        pltpu.SemaphoreType.DMA,
    ),
)
def _sc_gather(fue_hbm, fap_hbm, nodes_hbm, nidx_hbm, dst_hbm, zeros_hbm,
               self_out, agg_out,
               nodes_v, self_v, neigh_v, nidx_v, dst_v, zeros_v, agg_sp,
               sem_meta, sem_self, sem_so, sem_z, sem_rb, sem_sc,
               sng0, sng1, sng2, sng3, sng4):
    cid = lax.axis_index("c")
    sid = lax.axis_index("s")
    rb0 = sid * REGION
    sng = (sng0, sng1, sng2, sng3, sng4)
    my_off = sid * PAIR + cid * B_PER_W

    pltpu.sync_copy(zeros_hbm, zeros_v)

    def fire_meta(ci, pb):
        base = my_off + ci * CHUNK
        irow = (base // CHUNK) * NJ_PAD
        pltpu.async_copy(nodes_hbm.at[pl.ds(base, CHUNK)], nodes_v.at[pb],
                         sem_meta)
        pltpu.async_copy(nidx_hbm.at[pl.ds(irow, NJ_PAD)], nidx_v.at[pb],
                         sem_meta)
        pltpu.async_copy(dst_hbm.at[pl.ds(irow, NJ_PAD)], dst_v.at[pb],
                         sem_meta)

    def drain_meta(pb):
        pltpu.make_async_copy(nodes_hbm.at[pl.ds(0, CHUNK)], nodes_v.at[pb],
                              sem_meta).wait()
        pltpu.make_async_copy(nidx_hbm.at[pl.ds(0, NJ_PAD)], nidx_v.at[pb],
                              sem_meta).wait()
        pltpu.make_async_copy(dst_hbm.at[pl.ds(0, NJ_PAD)], dst_v.at[pb],
                              sem_meta).wait()

    fire_meta(0, 0)
    pltpu.async_copy(zeros_v, agg_sp.at[pl.ds(rb0, CHUNK)], sem_z)

    def chunk_body(ci, _):
        pb = ci % 2
        pb1 = 1 - pb
        base = my_off + ci * CHUNK

        @pl.when(ci >= 2)
        def _():
            pltpu.make_async_copy(self_v.at[pb],
                                  self_out.at[pl.ds(0, CHUNK)], sem_so).wait()

        drain_meta(pb)

        @pl.when(ci < N_CHUNKS - 1)
        def _():
            fire_meta(ci + 1, pb1)

        h_self = pltpu.async_copy(fue_hbm.at[nodes_v.at[pb]], self_v.at[pb],
                                  sem_self)
        h_ng = [pltpu.async_copy(fap_hbm.at[nidx_v.at[pb, j]], neigh_v.at[j],
                                 sng[j]) for j in range(NJ)]

        pltpu.make_async_copy(zeros_hbm, agg_sp.at[pl.ds(rb0, CHUNK)],
                              sem_z).wait()

        h_sc = []
        for j in range(NJ):
            h_ng[j].wait()
            h_sc.append(pltpu.async_copy(neigh_v.at[j],
                                         agg_sp.at[dst_v.at[pb, j]],
                                         sem_sc, add=True))

        @pl.when(ci >= 1)
        def _():
            pltpu.make_async_copy(agg_sp.at[pl.ds(rb0, CHUNK)],
                                  agg_out.at[pl.ds(0, CHUNK)], sem_rb).wait()

        @pl.when(ci < N_CHUNKS - 1)
        def _():
            pltpu.async_copy(zeros_v,
                             agg_sp.at[pl.ds(rb0 + pb1 * HALF, CHUNK)], sem_z)

        for h in h_sc:
            h.wait()
        pltpu.async_copy(agg_sp.at[pl.ds(rb0 + pb * HALF, CHUNK)],
                         agg_out.at[pl.ds(base, CHUNK)], sem_rb)

        h_self.wait()
        pltpu.async_copy(self_v.at[pb], self_out.at[pl.ds(base, CHUNK)],
                         sem_so)
        return ()

    lax.fori_loop(0, N_CHUNKS, chunk_body, (), unroll=False)

    pltpu.make_async_copy(agg_sp.at[pl.ds(rb0, CHUNK)],
                          agg_out.at[pl.ds(0, CHUNK)], sem_rb).wait()
    for pb in range(2):
        pltpu.make_async_copy(self_v.at[pb], self_out.at[pl.ds(0, CHUNK)],
                              sem_so).wait()


BB = 4096


def _tc_body(self_ref, agg_ref, recip_ref, w1_ref, w2_ref, out_ref):
    a = agg_ref[...] * recip_ref[...]
    acc = lax.dot_general(w1_ref[...], self_ref[...],
                          (((1,), (1,)), ((), ())),
                          preferred_element_type=jnp.float32)
    acc = acc + lax.dot_general(w2_ref[...], a,
                                (((1,), (1,)), ((), ())),
                                preferred_element_type=jnp.float32)
    out_ref[...] = jnp.maximum(acc, 0.0)


def _tc_matmul(self_f, agg_f, recip, w1, w2):
    grid = (pl.cdiv(B, BB),)
    return pl.pallas_call(
        _tc_body,
        grid=grid,
        in_specs=[
            pl.BlockSpec((BB, F), lambda i: (i, 0)),
            pl.BlockSpec((BB, F), lambda i: (i, 0)),
            pl.BlockSpec((BB, 1), lambda i: (i, 0)),
            pl.BlockSpec((E, F), lambda i: (0, 0)),
            pl.BlockSpec((E, F), lambda i: (0, 0)),
        ],
        out_specs=pl.BlockSpec((E, BB), lambda i: (0, i)),
        out_shape=jax.ShapeDtypeStruct((E, B), jnp.float32),
    )(self_f, agg_f, recip, w1, w2)


def kernel(features_ue, features_ap, adj_lists_ue, adj_lists_ap, nodes, weight):
    nodes_p = jnp.pad(nodes, (0, B_PAD - B))
    tn = jnp.take(adj_lists_ue, nodes_p, axis=0)
    eq = tn[:, :, None] == tn[:, None, :]
    earlier = jnp.tril(jnp.ones((S, S), dtype=bool), k=-1)
    is_dup = jnp.any(eq & earlier[None, :, :], axis=2)
    num_uniq = S - jnp.sum(is_dup.astype(jnp.float32), axis=1)
    recip_p = (1.0 / (num_uniq + 1.0))[:, None]

    g = jnp.arange(B_PAD, dtype=jnp.int32)
    sid = g // PAIR
    chunk_idx = (g % B_PER_W) // CHUNK
    rbase = sid * REGION + (chunk_idx % 2) * HALF
    dst = jnp.where(is_dup, (rbase + CHUNK)[:, None],
                    (rbase + (g % CHUNK))[:, None]).astype(jnp.int32)

    def _chunk_layout(x):
        x = x.reshape(NW * N_CHUNKS, NJ * JW)
        x = jnp.pad(x, ((0, 0), (0, (NJ_PAD - NJ) * JW)))
        return x.reshape(IDX_ROWS, JW)

    nidx = _chunk_layout(tn)
    dst = _chunk_layout(dst)
    zeros = jnp.zeros((CHUNK, F), jnp.float32)

    self_f, agg_f = _sc_gather(features_ue, features_ap, nodes_p,
                               nidx, dst, zeros)

    w1 = weight[:, :F]
    w2 = weight[:, F:]
    return _tc_matmul(self_f, agg_f, recip_p, w1, w2)

# --- scband reference (transcript-rebuilt; emitter-appended) ---
"""Pipeline reference for scband-mean-layer-11751030521986 (READ-ONLY COPY).

The authoritative reference and input builder live on the scoring server;
editing this copy changes nothing except your own understanding.
"""

import jax, jax.numpy as jnp
import numpy as np

N = 100000   # n_nodes
F = 128      # per-table feature dim
B = 50000    # batch of target nodes
S = 10       # num_sample neighbors
E = 128      # embed_dim


def setup_inputs(seed: int = 0) -> dict:
    key = jax.random.key(seed)
    k1, k2, k3, k4, k5, k6 = jax.random.split(key, 6)
    features_ue = jax.random.normal(k1, (N, F), dtype=jnp.float32)
    features_ap = jax.random.normal(k2, (N, F), dtype=jnp.float32)
    adj_lists_ue = jax.random.randint(k3, (N, S), 0, N, dtype=jnp.int32)
    adj_lists_ap = jax.random.randint(k4, (N, S), 0, N, dtype=jnp.int32)
    nodes = jax.random.randint(k5, (B,), 0, N, dtype=jnp.int32)
    # xavier_uniform for weight (embed_dim, feature_dim=2F)
    fan_in, fan_out = 2 * F, E
    limit = float(np.sqrt(6.0 / (fan_in + fan_out)))
    weight = jax.random.uniform(k6, (E, 2 * F), dtype=jnp.float32, minval=-limit, maxval=limit)
    return {
        "features_ue": features_ue,
        "features_ap": features_ap,
        "adj_lists_ue": adj_lists_ue,
        "adj_lists_ap": adj_lists_ap,
        "nodes": nodes,
        "weight": weight,
    }


def reference(features_ue, features_ap, adj_lists_ue, adj_lists_ap, nodes, weight):
    # sample_model='ue2ap': other_feature=features_ap, self_feature=features_ue,
    # one_ord_adj=adj_lists_ue; sample_order='first'; gcn=False; attention=None.
    to_neighs = jnp.take(adj_lists_ue, nodes, axis=0)            # [B, S] sampled neighbor ids
    # set semantics: collapse duplicate neighbor ids within a row (count each unique once)
    eq = to_neighs[:, :, None] == to_neighs[:, None, :]          # [B, S, S]
    earlier = jnp.tril(jnp.ones((S, S), dtype=bool), k=-1)       # i<j mask
    is_dup = jnp.any(eq & earlier[None, :, :], axis=2)           # [B, S]
    keep = (~is_dup).astype(jnp.float32)                         # [B, S]
    num_neigh = jnp.sum(keep, axis=1, keepdims=True)             # [B, 1] == mask.sum(1)
    neigh_feats = jnp.take(features_ap, to_neighs, axis=0)       # [B, S, F] gather
    # mask.div(num_neigh + 1) then mask.mm(embed_matrix)
    agg = jnp.sum(neigh_feats * keep[:, :, None], axis=1) / (num_neigh + 1.0)  # [B, F]
    self_feats = jnp.take(features_ue, nodes, axis=0)            # [B, F]
    combined = jnp.concatenate([self_feats, agg], axis=1)        # [B, 2F]
    out = jax.nn.relu(weight @ combined.T)                       # [E, B]
    return out

if __name__ == "__main__":
    import jax
    _d = setup_inputs()
    print(jax.jit(kernel)(*tuple(_d.values())))

</pallas_src>

<mosaic_0001>
#map = affine_map<(d0, d1) -> (0, 0)>
#map1 = affine_map<(d0, d1) -> (0)>
module attributes {stable_mosaic.version = 14 : i64} {
  func.func @_sc_gather(%arg0: i32, %arg1: i32, %arg2: memref<100000x128xf32, #tpu.memory_space<hbm>>, %arg3: memref<100000x128xf32, #tpu.memory_space<hbm>>, %arg4: memref<51200xi32, #tpu.memory_space<hbm>>, %arg5: memref<6400x128xi32, #tpu.memory_space<hbm>>, %arg6: memref<6400x128xi32, #tpu.memory_space<hbm>>, %arg7: memref<64x128xf32, #tpu.memory_space<hbm>>, %arg8: memref<51200x128xf32, #tpu.memory_space<hbm>>, %arg9: memref<51200x128xf32, #tpu.memory_space<hbm>>, %arg10: memref<2x64xi32, #tpu.memory_space<vmem>>, %arg11: memref<2x64x128xf32, #tpu.memory_space<vmem>>, %arg12: memref<5x128x128xf32, #tpu.memory_space<vmem>>, %arg13: memref<2x8x128xi32, #tpu.memory_space<vmem>>, %arg14: memref<2x8x128xi32, #tpu.memory_space<vmem>>, %arg15: memref<64x128xf32, #tpu.memory_space<vmem>>, %arg16: memref<2304x128xf32, #tpu.memory_space<vmem_shared>>, %arg17: memref<!tpu.dma_semaphore, #tpu.memory_space<semaphore_mem>>, %arg18: memref<!tpu.dma_semaphore, #tpu.memory_space<semaphore_mem>>, %arg19: memref<!tpu.dma_semaphore, #tpu.memory_space<semaphore_mem>>, %arg20: memref<!tpu.dma_semaphore, #tpu.memory_space<semaphore_mem>>, %arg21: memref<!tpu.dma_semaphore, #tpu.memory_space<semaphore_mem>>, %arg22: memref<!tpu.dma_semaphore, #tpu.memory_space<semaphore_mem>>, %arg23: memref<!tpu.dma_semaphore, #tpu.memory_space<semaphore_mem>>, %arg24: memref<!tpu.dma_semaphore, #tpu.memory_space<semaphore_mem>>, %arg25: memref<!tpu.dma_semaphore, #tpu.memory_space<semaphore_mem>>, %arg26: memref<!tpu.dma_semaphore, #tpu.memory_space<semaphore_mem>>, %arg27: memref<!tpu.dma_semaphore, #tpu.memory_space<semaphore_mem>>) attributes {dimension_semantics = [#tpu.dimension_semantics<core_parallel>, #tpu.dimension_semantics<subcore_parallel>], iteration_bounds = array<i64: 2, 16>, scalar_prefetch = 0 : i64, scratch_operands = 18 : i64, tpu.core_type = #tpu.core_type<sc_vector_subcore>, window_params = [{transform_indices = #map}, {transform_indices = #map}, {transform_indices = #map1}, {transform_indices = #map}, {transform_indices = #map}, {transform_indices = #map}, {transform_indices = #map}, {transform_indices = #map}]} {
    %mul3A = arith.constant 144 : i32
    %mul3A_0 = arith.muli %arg1, %mul3A : i32
    %mul3A_1 = arith.constant 3200 : i32
    %mul3A_2 = arith.muli %arg1, %mul3A_1 : i32
    %mul3A_3 = arith.constant 1600 : i32
    %mul3A_4 = arith.muli %arg0, %mul3A_3 : i32
    %add3A = arith.addi %mul3A_2, %mul3A_4 : i32
    "tpu.region"() ({
      %run_scoped3A = tpu.sem_alloc : memref<!tpu.dma_semaphore, #tpu.memory_space<semaphore_mem>>
      tpu.enqueue_dma source(%arg7 : memref<64x128xf32, #tpu.memory_space<hbm>>) target(%arg15 : memref<64x128xf32, #tpu.memory_space<vmem>>) target_semaphore(%run_scoped3A : memref<!tpu.dma_semaphore, #tpu.memory_space<semaphore_mem>>)
      tpu.wait_dma2 semaphore(%run_scoped3A : memref<!tpu.dma_semaphore, #tpu.memory_space<semaphore_mem>>) src(%arg7 : memref<64x128xf32, #tpu.memory_space<hbm>>) dst(%arg15 : memref<64x128xf32, #tpu.memory_space<vmem>>)
      tpu.yield
    }) : () -> ()
    %add3A_5 = arith.constant 0 : i32
    %add3A_6 = arith.addi %add3A, %add3A_5 : i32
    %jit3A = arith.constant 64 : i32
    %div3A = arith.divsi %add3A_6, %jit3A : i32
    %sign3A = arith.constant 0 : i32
    %sign3A_7 = arith.cmpi sgt, %add3A_6, %sign3A : i32
    %sign3A_8 = arith.extui %sign3A_7 : i1 to i32
    %sign3A_9 = arith.constant 0 : i32
    %sign3A_10 = arith.cmpi slt, %add3A_6, %sign3A_9 : i32
    %sign3A_11 = arith.extui %sign3A_10 : i1 to i32
    %sign3A_12 = arith.subi %sign3A_8, %sign3A_11 : i32
    %sign3A_13 = arith.constant 0 : i32
    %sign3A_14 = arith.cmpi sgt, %jit3A, %sign3A_13 : i32
    %sign3A_15 = arith.extui %sign3A_14 : i1 to i32
    %sign3A_16 = arith.constant 0 : i32
    %sign3A_17 = arith.cmpi slt, %jit3A, %sign3A_16 : i32
    %sign3A_18 = arith.extui %sign3A_17 : i1 to i32
    %sign3A_19 = arith.subi %sign3A_15, %sign3A_18 : i32
    %ne3A = arith.cmpi ne, %sign3A_12, %sign3A_19 : i32
    %rem3A = arith.remsi %add3A_6, %jit3A : i32
    %ne3A_20 = arith.constant 0 : i32
    %ne3A_21 = arith.cmpi ne, %rem3A, %ne3A_20 : i32
    %and3A = arith.andi %ne3A, %ne3A_21 : i1
    %sub3A = arith.constant 1 : i32
    %sub3A_22 = arith.subi %div3A, %sub3A : i32
    %select_n3A = arith.select %and3A, %sub3A_22, %div3A : i32
    %mul3A_23 = arith.constant 8 : i32
    %mul3A_24 = arith.muli %select_n3A, %mul3A_23 : i32
    %dma_start3A = arith.constant 0 : i32
    %dma_start3A_25 = arith.constant 0 : i32
    %dma_start3A_26 = tpu.memref_slice %arg10[%dma_start3A, %dma_start3A_25] : memref<2x64xi32, #tpu.memory_space<vmem>> -> memref<1x64xi32, #tpu.memory_space<vmem>>
    %dma_start3A_27 = tpu.memref_squeeze %dma_start3A_26 : memref<1x64xi32, #tpu.memory_space<vmem>> -> memref<64xi32, #tpu.memory_space<vmem>>
    %dma_start3A_28 = tpu.memref_slice %arg4[%add3A_6] : memref<51200xi32, #tpu.memory_space<hbm>> -> memref<64xi32, #tpu.memory_space<hbm>>
    %dma_start3A_29 = arith.constant 0 : i32
    %dma_start3A_30 = tpu.memref_slice %arg10[%dma_start3A, %dma_start3A_29] : memref<2x64xi32, #tpu.memory_space<vmem>> -> memref<1x64xi32, #tpu.memory_space<vmem>>
    %dma_start3A_31 = tpu.memref_squeeze %dma_start3A_30 : memref<1x64xi32, #tpu.memory_space<vmem>> -> memref<64xi32, #tpu.memory_space<vmem>>
    %dma_start3A_32 = tpu.memref_slice %arg4[%add3A_6] : memref<51200xi32, #tpu.memory_space<hbm>> -> memref<64xi32, #tpu.memory_space<hbm>>
    tpu.enqueue_dma source(%dma_start3A_32 : memref<64xi32, #tpu.memory_space<hbm>>) target(%dma_start3A_31 : memref<64xi32, #tpu.memory_space<vmem>>) target_semaphore(%arg17 : memref<!tpu.dma_semaphore, #tpu.memory_space<semaphore_mem>>)
    %dma_start3A_33 = arith.constant 0 : i32
    %dma_start3A_34 = arith.constant 0 : i32
    %dma_start3A_35 = arith.constant 0 : i32
    %dma_start3A_36 = tpu.memref_slice %arg13[%dma_start3A_33, %dma_start3A_34, %dma_start3A_35] : memref<2x8x128xi32, #tpu.memory_space<vmem>> -> memref<1x8x128xi32, #tpu.memory_space<vmem>>
    %dma_start3A_37 = tpu.memref_squeeze %dma_start3A_36 : memref<1x8x128xi32, #tpu.memory_space<vmem>> -> memref<8x128xi32, #tpu.memory_space<vmem>>
    %dma_start3A_38 = arith.constant 0 : i32
    %dma_start3A_39 = tpu.memref_slice %arg5[%mul3A_24, %dma_start3A_38] : memref<6400x128xi32, #tpu.memory_space<hbm>> -> memref<8x128xi32, #tpu.memory_space<hbm>>
    %dma_start3A_40 = arith.constant 0 : i32
    %dma_start3A_41 = arith.constant 0 : i32
    %dma_start3A_42 = tpu.memref_slice %arg13[%dma_start3A_33, %dma_start3A_40, %dma_start3A_41] : memref<2x8x128xi32, #tpu.memory_space<vmem>> -> memref<1x8x128xi32, #tpu.memory_space<vmem>>
    %dma_start3A_43 = tpu.memref_squeeze %dma_start3A_42 : memref<1x8x128xi32, #tpu.memory_space<vmem>> -> memref<8x128xi32, #tpu.memory_space<vmem>>
    %dma_start3A_44 = arith.constant 0 : i32
    %dma_start3A_45 = tpu.memref_slice %arg5[%mul3A_24, %dma_start3A_44] : memref<6400x128xi32, #tpu.memory_space<hbm>> -> memref<8x128xi32, #tpu.memory_space<hbm>>
    tpu.enqueue_dma source(%dma_start3A_45 : memref<8x128xi32, #tpu.memory_space<hbm>>) target(%dma_start3A_43 : memref<8x128xi32, #tpu.memory_space<vmem>>) target_semaphore(%arg17 : memref<!tpu.dma_semaphore, #tpu.memory_space<semaphore_mem>>)
    %dma_start3A_46 = arith.constant 0 : i32
    %dma_start3A_47 = arith.constant 0 : i32
    %dma_start3A_48 = arith.constant 0 : i32
    %dma_start3A_49 = tpu.memref_slice %arg14[%dma_start3A_46, %dma_start3A_47, %dma_start3A_48] : memref<2x8x128xi32, #tpu.memory_space<vmem>> -> memref<1x8x128xi32, #tpu.memory_space<vmem>>
    %dma_start3A_50 = tpu.memref_squeeze %dma_start3A_49 : memref<1x8x128xi32, #tpu.memory_space<vmem>> -> memref<8x128xi32, #tpu.memory_space<vmem>>
    %dma_start3A_51 = arith.constant 0 : i32
    %dma_start3A_52 = tpu.memref_slice %arg6[%mul3A_24, %dma_start3A_51] : memref<6400x128xi32, #tpu.memory_space<hbm>> -> memref<8x128xi32, #tpu.memory_space<hbm>>
    %dma_start3A_53 = arith.constant 0 : i32
    %dma_start3A_54 = arith.constant 0 : i32
    %dma_start3A_55 = tpu.memref_slice %arg14[%dma_start3A_46, %dma_start3A_53, %dma_start3A_54] : memref<2x8x128xi32, #tpu.memory_space<vmem>> -> memref<1x8x128xi32, #tpu.memory_space<vmem>>
    %dma_start3A_56 = tpu.memref_squeeze %dma_start3A_55 : memref<1x8x128xi32, #tpu.memory_space<vmem>> -> memref<8x128xi32, #tpu.memory_space<vmem>>
    %dma_start3A_57 = arith.constant 0 : i32
    %dma_start3A_58 = tpu.memref_slice %arg6[%mul3A_24, %dma_start3A_57] : memref<6400x128xi32, #tpu.memory_space<hbm>> -> memref<8x128xi32, #tpu.memory_space<hbm>>
    tpu.enqueue_dma source(%dma_start3A_58 : memref<8x128xi32, #tpu.memory_space<hbm>>) target(%dma_start3A_56 : memref<8x128xi32, #tpu.memory_space<vmem>>) target_semaphore(%arg17 : memref<!tpu.dma_semaphore, #tpu.memory_space<semaphore_mem>>)
    %dma_start3A_59 = arith.constant 0 : i32
    %dma_start3A_60 = tpu.memref_slice %arg16[%mul3A_0, %dma_start3A_59] : memref<2304x128xf32, #tpu.memory_space<vmem_shared>> -> memref<64x128xf32, #tpu.memory_space<vmem_shared>>
    %dma_start3A_61 = arith.constant 0 : i32
    %dma_start3A_62 = tpu.memref_slice %arg16[%mul3A_0, %dma_start3A_61] : memref<2304x128xf32, #tpu.memory_space<vmem_shared>> -> memref<64x128xf32, #tpu.memory_space<vmem_shared>>
    tpu.enqueue_dma source(%arg15 : memref<64x128xf32, #tpu.memory_space<vmem>>) target(%dma_start3A_62 : memref<64x128xf32, #tpu.memory_space<vmem_shared>>) target_semaphore(%arg20 : memref<!tpu.dma_semaphore, #tpu.memory_space<semaphore_mem>>)
    %scan3A = arith.constant 0 : i32
    %scan3A_63 = arith.constant 25 : i32
    %scan3A_64 = arith.addi %scan3A, %scan3A_63 : i32
    %scan3A_65 = arith.constant 1 : i32
    scf.for %scan3A_101 = %scan3A to %scan3A_64 step %scan3A_65  : i32 {
      %jit3A_102 = arith.constant 2 : i32
      %eq3A = arith.constant 0 : i32
      %eq3A_103 = arith.cmpi eq, %jit3A_102, %eq3A : i32
      %jit3A_104 = arith.constant 1 : i32
      %select_n3A_105 = arith.select %eq3A_103, %jit3A_104, %jit3A_102 : i32
      %rem3A_106 = arith.remsi %scan3A_101, %select_n3A_105 : i32
      %ne3A_107 = arith.constant 0 : i32
      %ne3A_108 = arith.cmpi ne, %rem3A_106, %ne3A_107 : i32
      %lt3A = arith.constant 0 : i32
      %lt3A_109 = arith.cmpi slt, %rem3A_106, %lt3A : i32
      %lt3A_110 = arith.constant 0 : i32
      %lt3A_111 = arith.cmpi slt, %select_n3A_105, %lt3A_110 : i32
      %ne3A_112 = arith.xori %lt3A_109, %lt3A_111 : i1
      %and3A_113 = arith.andi %ne3A_112, %ne3A_108 : i1
      %add3A_114 = arith.addi %rem3A_106, %select_n3A_105 : i32
      %select_n3A_115 = arith.select %and3A_113, %add3A_114, %rem3A_106 : i32
      %sub3A_116 = arith.constant 1 : i32
      %sub3A_117 = arith.subi %sub3A_116, %select_n3A_115 : i32
      %mul3A_118 = arith.constant 64 : i32
      %mul3A_119 = arith.muli %scan3A_101, %mul3A_118 : i32
      %add3A_120 = arith.addi %add3A, %mul3A_119 : i32
      %ge3A = arith.constant 2 : i32
      %ge3A_121 = arith.cmpi sge, %scan3A_101, %ge3A : i32
      %convert_element_type3A = arith.extui %ge3A_121 : i1 to i32
      %cond3A = arith.constant 0 : i32
      %cond3A_122 = arith.cmpi ne, %convert_element_type3A, %cond3A : i32
      scf.if %cond3A_122 {
        %dma_wait3A_457 = arith.constant 0 : i32
        %dma_wait3A_458 = arith.constant 0 : i32
        %dma_wait3A_459 = tpu.memref_slice %arg11[%select_n3A_115, %dma_wait3A_457, %dma_wait3A_458] : memref<2x64x128xf32, #tpu.memory_space<vmem>> -> memref<1x64x128xf32, #tpu.memory_space<vmem>>
        %dma_wait3A_460 = tpu.memref_squeeze %dma_wait3A_459 : memref<1x64x128xf32, #tpu.memory_space<vmem>> -> memref<64x128xf32, #tpu.memory_space<vmem>>
        %dma_wait3A_461 = arith.constant 0 : i32
        %dma_wait3A_462 = arith.constant 0 : i32
        %dma_wait3A_463 = tpu.memref_slice %arg8[%dma_wait3A_461, %dma_wait3A_462] : memref<51200x128xf32, #tpu.memory_space<hbm>> -> memref<64x128xf32, #tpu.memory_space<hbm>>
        %dma_wait3A_464 = arith.constant 0 : i32
        %dma_wait3A_465 = arith.constant 0 : i32
        %dma_wait3A_466 = tpu.memref_slice %arg8[%dma_wait3A_464, %dma_wait3A_465] : memref<51200x128xf32, #tpu.memory_space<hbm>> -> memref<64x128xf32, #tpu.memory_space<hbm>>
        %dma_wait3A_467 = arith.constant 0 : i32
        %dma_wait3A_468 = arith.constant 0 : i32
        %dma_wait3A_469 = tpu.memref_slice %arg11[%select_n3A_115, %dma_wait3A_467, %dma_wait3A_468] : memref<2x64x128xf32, #tpu.memory_space<vmem>> -> memref<1x64x128xf32, #tpu.memory_space<vmem>>
        %dma_wait3A_470 = tpu.memref_squeeze %dma_wait3A_469 : memref<1x64x128xf32, #tpu.memory_space<vmem>> -> memref<64x128xf32, #tpu.memory_space<vmem>>
        tpu.wait_dma2 semaphore(%arg19 : memref<!tpu.dma_semaphore, #tpu.memory_space<semaphore_mem>>) src(%dma_wait3A_470 : memref<64x128xf32, #tpu.memory_space<vmem>>) dst(%dma_wait3A_466 : memref<64x128xf32, #tpu.memory_space<hbm>>)
      } else {
      }
      %dma_wait3A_123 = arith.constant 0 : i32
      %dma_wait3A_124 = tpu.memref_slice %arg10[%select_n3A_115, %dma_wait3A_123] : memref<2x64xi32, #tpu.memory_space<vmem>> -> memref<1x64xi32, #tpu.memory_space<vmem>>
      %dma_wait3A_125 = tpu.memref_squeeze %dma_wait3A_124 : memref<1x64xi32, #tpu.memory_space<vmem>> -> memref<64xi32, #tpu.memory_space<vmem>>
      %dma_wait3A_126 = arith.constant 0 : i32
      %dma_wait3A_127 = tpu.memref_slice %arg4[%dma_wait3A_126] : memref<51200xi32, #tpu.memory_space<hbm>> -> memref<64xi32, #tpu.memory_space<hbm>>
      %dma_wait3A_128 = arith.constant 0 : i32
      %dma_wait3A_129 = tpu.memref_slice %arg10[%select_n3A_115, %dma_wait3A_128] : memref<2x64xi32, #tpu.memory_space<vmem>> -> memref<1x64xi32, #tpu.memory_space<vmem>>
      %dma_wait3A_130 = tpu.memref_squeeze %dma_wait3A_129 : memref<1x64xi32, #tpu.memory_space<vmem>> -> memref<64xi32, #tpu.memory_space<vmem>>
      %dma_wait3A_131 = arith.constant 0 : i32
      %dma_wait3A_132 = tpu.memref_slice %arg4[%dma_wait3A_131] : memref<51200xi32, #tpu.memory_space<hbm>> -> memref<64xi32, #tpu.memory_space<hbm>>
      tpu.wait_dma2 semaphore(%arg17 : memref<!tpu.dma_semaphore, #tpu.memory_space<semaphore_mem>>) src(%dma_wait3A_132 : memref<64xi32, #tpu.memory_space<hbm>>) dst(%dma_wait3A_130 : memref<64xi32, #tpu.memory_space<vmem>>)
      %dma_wait3A_133 = arith.constant 0 : i32
      %dma_wait3A_134 = arith.constant 0 : i32
      %dma_wait3A_135 = tpu.memref_slice %arg13[%select_n3A_115, %dma_wait3A_133, %dma_wait3A_134] : memref<2x8x128xi32, #tpu.memory_space<vmem>> -> memref<1x8x128xi32, #tpu.memory_space<vmem>>
      %dma_wait3A_136 = tpu.memref_squeeze %dma_wait3A_135 : memref<1x8x128xi32, #tpu.memory_space<vmem>> -> memref<8x128xi32, #tpu.memory_space<vmem>>
      %dma_wait3A_137 = arith.constant 0 : i32
      %dma_wait3A_138 = arith.constant 0 : i32
      %dma_wait3A_139 = tpu.memref_slice %arg5[%dma_wait3A_137, %dma_wait3A_138] : memref<6400x128xi32, #tpu.memory_space<hbm>> -> memref<8x128xi32, #tpu.memory_space<hbm>>
      %dma_wait3A_140 = arith.constant 0 : i32
      %dma_wait3A_141 = arith.constant 0 : i32
      %dma_wait3A_142 = tpu.memref_slice %arg13[%select_n3A_115, %dma_wait3A_140, %dma_wait3A_141] : memref<2x8x128xi32, #tpu.memory_space<vmem>> -> memref<1x8x128xi32, #tpu.memory_space<vmem>>
      %dma_wait3A_143 = tpu.memref_squeeze %dma_wait3A_142 : memref<1x8x128xi32, #tpu.memory_space<vmem>> -> memref<8x128xi32, #tpu.memory_space<vmem>>
      %dma_wait3A_144 = arith.constant 0 : i32
      %dma_wait3A_145 = arith.constant 0 : i32
      %dma_wait3A_146 = tpu.memref_slice %arg5[%dma_wait3A_144, %dma_wait3A_145] : memref<6400x128xi32, #tpu.memory_space<hbm>> -> memref<8x128xi32, #tpu.memory_space<hbm>>
      tpu.wait_dma2 semaphore(%arg17 : memref<!tpu.dma_semaphore, #tpu.memory_space<semaphore_mem>>) src(%dma_wait3A_146 : memref<8x128xi32, #tpu.memory_space<hbm>>) dst(%dma_wait3A_143 : memref<8x128xi32, #tpu.memory_space<vmem>>)
      %dma_wait3A_147 = arith.constant 0 : i32
      %dma_wait3A_148 = arith.constant 0 : i32
      %dma_wait3A_149 = tpu.memref_slice %arg14[%select_n3A_115, %dma_wait3A_147, %dma_wait3A_148] : memref<2x8x128xi32, #tpu.memory_space<vmem>> -> memref<1x8x128xi32, #tpu.memory_space<vmem>>
      %dma_wait3A_150 = tpu.memref_squeeze %dma_wait3A_149 : memref<1x8x128xi32, #tpu.memory_space<vmem>> -> memref<8x128xi32, #tpu.memory_space<vmem>>
      %dma_wait3A_151 = arith.constant 0 : i32
      %dma_wait3A_152 = arith.constant 0 : i32
      %dma_wait3A_153 = tpu.memref_slice %arg6[%dma_wait3A_151, %dma_wait3A_152] : memref<6400x128xi32, #tpu.memory_space<hbm>> -> memref<8x128xi32, #tpu.memory_space<hbm>>
      %dma_wait3A_154 = arith.constant 0 : i32
      %dma_wait3A_155 = arith.constant 0 : i32
      %dma_wait3A_156 = tpu.memref_slice %arg14[%select_n3A_115, %dma_wait3A_154, %dma_wait3A_155] : memref<2x8x128xi32, #tpu.memory_space<vmem>> -> memref<1x8x128xi32, #tpu.memory_space<vmem>>
      %dma_wait3A_157 = tpu.memref_squeeze %dma_wait3A_156 : memref<1x8x128xi32, #tpu.memory_space<vmem>> -> memref<8x128xi32, #tpu.memory_space<vmem>>
      %dma_wait3A_158 = arith.constant 0 : i32
      %dma_wait3A_159 = arith.constant 0 : i32
      %dma_wait3A_160 = tpu.memref_slice %arg6[%dma_wait3A_158, %dma_wait3A_159] : memref<6400x128xi32, #tpu.memory_space<hbm>> -> memref<8x128xi32, #tpu.memory_space<hbm>>
      tpu.wait_dma2 semaphore(%arg17 : memref<!tpu.dma_semaphore, #tpu.memory_space<semaphore_mem>>) src(%dma_wait3A_160 : memref<8x128xi32, #tpu.memory_space<hbm>>) dst(%dma_wait3A_157 : memref<8x128xi32, #tpu.memory_space<vmem>>)
      %lt3A_161 = arith.constant 24 : i32
      %lt3A_162 = arith.cmpi slt, %scan3A_101, %lt3A_161 : i32
      %convert_element_type3A_163 = arith.extui %lt3A_162 : i1 to i32
      %cond3A_164 = arith.constant 0 : i32
      %cond3A_165 = arith.cmpi ne, %convert_element_type3A_163, %cond3A_164 : i32
      scf.if %cond3A_165 {
        %add3A_457 = arith.constant 1 : i32
        %add3A_458 = arith.addi %scan3A_101, %add3A_457 : i32
        %mul3A_459 = arith.constant 64 : i32
        %mul3A_460 = arith.muli %add3A_458, %mul3A_459 : i32
        %add3A_461 = arith.addi %add3A, %mul3A_460 : i32
        %jit3A_462 = arith.constant 64 : i32
        %div3A_463 = arith.divsi %add3A_461, %jit3A_462 : i32
        %sign3A_464 = arith.constant 0 : i32
        %sign3A_465 = arith.cmpi sgt, %add3A_461, %sign3A_464 : i32
        %sign3A_466 = arith.extui %sign3A_465 : i1 to i32
        %sign3A_467 = arith.constant 0 : i32
        %sign3A_468 = arith.cmpi slt, %add3A_461, %sign3A_467 : i32
        %sign3A_469 = arith.extui %sign3A_468 : i1 to i32
        %sign3A_470 = arith.subi %sign3A_466, %sign3A_469 : i32
        %sign3A_471 = arith.constant 0 : i32
        %sign3A_472 = arith.cmpi sgt, %jit3A_462, %sign3A_471 : i32
        %sign3A_473 = arith.extui %sign3A_472 : i1 to i32
        %sign3A_474 = arith.constant 0 : i32
        %sign3A_475 = arith.cmpi slt, %jit3A_462, %sign3A_474 : i32
        %sign3A_476 = arith.extui %sign3A_475 : i1 to i32
        %sign3A_477 = arith.subi %sign3A_473, %sign3A_476 : i32
        %ne3A_478 = arith.cmpi ne, %sign3A_470, %sign3A_477 : i32
        %rem3A_479 = arith.remsi %add3A_461, %jit3A_462 : i32
        %ne3A_480 = arith.constant 0 : i32
        %ne3A_481 = arith.cmpi ne, %rem3A_479, %ne3A_480 : i32
        %and3A_482 = arith.andi %ne3A_478, %ne3A_481 : i1
        %sub3A_483 = arith.constant 1 : i32
        %sub3A_484 = arith.subi %div3A_463, %sub3A_483 : i32
        %select_n3A_485 = arith.select %and3A_482, %sub3A_484, %div3A_463 : i32
        %mul3A_486 = arith.constant 8 : i32
        %mul3A_487 = arith.muli %select_n3A_485, %mul3A_486 : i32
        %dma_start3A_488 = arith.constant 0 : i32
        %dma_start3A_489 = tpu.memref_slice %arg10[%sub3A_117, %dma_start3A_488] : memref<2x64xi32, #tpu.memory_space<vmem>> -> memref<1x64xi32, #tpu.memory_space<vmem>>
        %dma_start3A_490 = tpu.memref_squeeze %dma_start3A_489 : memref<1x64xi32, #tpu.memory_space<vmem>> -> memref<64xi32, #tpu.memory_space<vmem>>
        %dma_start3A_491 = tpu.memref_slice %arg4[%add3A_461] : memref<51200xi32, #tpu.memory_space<hbm>> -> memref<64xi32, #tpu.memory_space<hbm>>
        %dma_start3A_492 = arith.constant 0 : i32
        %dma_start3A_493 = tpu.memref_slice %arg10[%sub3A_117, %dma_start3A_492] : memref<2x64xi32, #tpu.memory_space<vmem>> -> memref<1x64xi32, #tpu.memory_space<vmem>>
        %dma_start3A_494 = tpu.memref_squeeze %dma_start3A_493 : memref<1x64xi32, #tpu.memory_space<vmem>> -> memref<64xi32, #tpu.memory_space<vmem>>
        %dma_start3A_495 = tpu.memref_slice %arg4[%add3A_461] : memref<51200xi32, #tpu.memory_space<hbm>> -> memref<64xi32, #tpu.memory_space<hbm>>
        tpu.enqueue_dma source(%dma_start3A_495 : memref<64xi32, #tpu.memory_space<hbm>>) target(%dma_start3A_494 : memref<64xi32, #tpu.memory_space<vmem>>) target_semaphore(%arg17 : memref<!tpu.dma_semaphore, #tpu.memory_space<semaphore_mem>>)
        %dma_start3A_496 = arith.constant 0 : i32
        %dma_start3A_497 = arith.constant 0 : i32
        %dma_start3A_498 = tpu.memref_slice %arg13[%sub3A_117, %dma_start3A_496, %dma_start3A_497] : memref<2x8x128xi32, #tpu.memory_space<vmem>> -> memref<1x8x128xi32, #tpu.memory_space<vmem>>
        %dma_start3A_499 = tpu.memref_squeeze %dma_start3A_498 : memref<1x8x128xi32, #tpu.memory_space<vmem>> -> memref<8x128xi32, #tpu.memory_space<vmem>>
        %dma_start3A_500 = arith.constant 0 : i32
        %dma_start3A_501 = tpu.memref_slice %arg5[%mul3A_487, %dma_start3A_500] : memref<6400x128xi32, #tpu.memory_space<hbm>> -> memref<8x128xi32, #tpu.memory_space<hbm>>
        %dma_start3A_502 = arith.constant 0 : i32
        %dma_start3A_503 = arith.constant 0 : i32
        %dma_start3A_504 = tpu.memref_slice %arg13[%sub3A_117, %dma_start3A_502, %dma_start3A_503] : memref<2x8x128xi32, #tpu.memory_space<vmem>> -> memref<1x8x128xi32, #tpu.memory_space<vmem>>
        %dma_start3A_505 = tpu.memref_squeeze %dma_start3A_504 : memref<1x8x128xi32, #tpu.memory_space<vmem>> -> memref<8x128xi32, #tpu.memory_space<vmem>>
        %dma_start3A_506 = arith.constant 0 : i32
        %dma_start3A_507 = tpu.memref_slice %arg5[%mul3A_487, %dma_start3A_506] : memref<6400x128xi32, #tpu.memory_space<hbm>> -> memref<8x128xi32, #tpu.memory_space<hbm>>
        tpu.enqueue_dma source(%dma_start3A_507 : memref<8x128xi32, #tpu.memory_space<hbm>>) target(%dma_start3A_505 : memref<8x128xi32, #tpu.memory_space<vmem>>) target_semaphore(%arg17 : memref<!tpu.dma_semaphore, #tpu.memory_space<semaphore_mem>>)
        %dma_start3A_508 = arith.constant 0 : i32
        %dma_start3A_509 = arith.constant 0 : i32
        %dma_start3A_510 = tpu.memref_slice %arg14[%sub3A_117, %dma_start3A_508, %dma_start3A_509] : memref<2x8x128xi32, #tpu.memory_space<vmem>> -> memref<1x8x128xi32, #tpu.memory_space<vmem>>
        %dma_start3A_511 = tpu.memref_squeeze %dma_start3A_510 : memref<1x8x128xi32, #tpu.memory_space<vmem>> -> memref<8x128xi32, #tpu.memory_space<vmem>>
        %dma_start3A_512 = arith.constant 0 : i32
        %dma_start3A_513 = tpu.memref_slice %arg6[%mul3A_487, %dma_start3A_512] : memref<6400x128xi32, #tpu.memory_space<hbm>> -> memref<8x128xi32, #tpu.memory_space<hbm>>
        %dma_start3A_514 = arith.constant 0 : i32
        %dma_start3A_515 = arith.constant 0 : i32
        %dma_start3A_516 = tpu.memref_slice %arg14[%sub3A_117, %dma_start3A_514, %dma_start3A_515] : memref<2x8x128xi32, #tpu.memory_space<vmem>> -> memref<1x8x128xi32, #tpu.memory_space<vmem>>
        %dma_start3A_517 = tpu.memref_squeeze %dma_start3A_516 : memref<1x8x128xi32, #tpu.memory_space<vmem>> -> memref<8x128xi32, #tpu.memory_space<vmem>>
        %dma_start3A_518 = arith.constant 0 : i32
        %dma_start3A_519 = tpu.memref_slice %arg6[%mul3A_487, %dma_start3A_518] : memref<6400x128xi32, #tpu.memory_space<hbm>> -> memref<8x128xi32, #tpu.memory_space<hbm>>
        tpu.enqueue_dma source(%dma_start3A_519 : memref<8x128xi32, #tpu.memory_space<hbm>>) target(%dma_start3A_517 : memref<8x128xi32, #tpu.memory_space<vmem>>) target_semaphore(%arg17 : memref<!tpu.dma_semaphore, #tpu.memory_space<semaphore_mem>>)
      } else {
      }
      %dma_start3A_166 = arith.constant 0 : i32
      %dma_start3A_167 = arith.constant 0 : i32
      %dma_start3A_168 = tpu.memref_slice %arg11[%select_n3A_115, %dma_start3A_166, %dma_start3A_167] : memref<2x64x128xf32, #tpu.memory_space<vmem>> -> memref<1x64x128xf32, #tpu.memory_space<vmem>>
      %dma_start3A_169 = tpu.memref_squeeze %dma_start3A_168 : memref<1x64x128xf32, #tpu.memory_space<vmem>> -> memref<64x128xf32, #tpu.memory_space<vmem>>
      %dma_start3A_170 = arith.constant 0 : i32
      %dma_start3A_171 = tpu.memref_slice %arg10[%select_n3A_115, %dma_start3A_170] : memref<2x64xi32, #tpu.memory_space<vmem>> -> memref<1x64xi32, #tpu.memory_space<vmem>>
      %dma_start3A_172 = tpu.memref_squeeze %dma_start3A_171 : memref<1x64xi32, #tpu.memory_space<vmem>> -> memref<64xi32, #tpu.memory_space<vmem>>
      %dma_start3A_173 = arith.constant 0 : i32
      %dma_start3A_174 = arith.constant 0 : i32
      %dma_start3A_175 = tpu.memref_slice %arg2[%dma_start3A_173, %dma_start3A_174] : memref<100000x128xf32, #tpu.memory_space<hbm>> -> memref<100000x128xf32, #tpu.memory_space<hbm>>
      tpu.enqueue_indirect_dma source(%dma_start3A_175 : memref<100000x128xf32, #tpu.memory_space<hbm>>) target(%dma_start3A_169 : memref<64x128xf32, #tpu.memory_space<vmem>>) offsets(%dma_start3A_172 : memref<64xi32, #tpu.memory_space<vmem>>) semaphore(%arg18 : memref<!tpu.dma_semaphore, #tpu.memory_space<semaphore_mem>>)
      %dma_start3A_176 = arith.constant 0 : i32
      %dma_start3A_177 = arith.constant 0 : i32
      %dma_start3A_178 = arith.constant 0 : i32
      %dma_start3A_179 = arith.constant 0 : i32
      %dma_start3A_180 = tpu.memref_slice %arg12[%dma_start3A_177, %dma_start3A_178, %dma_start3A_179] : memref<5x128x128xf32, #tpu.memory_space<vmem>> -> memref<1x128x128xf32, #tpu.memory_space<vmem>>
      %dma_start3A_181 = tpu.memref_squeeze %dma_start3A_180 : memref<1x128x128xf32, #tpu.memory_space<vmem>> -> memref<128x128xf32, #tpu.memory_space<vmem>>
      %dma_start3A_182 = arith.constant 0 : i32
      %dma_start3A_183 = tpu.memref_slice %arg13[%select_n3A_115, %dma_start3A_176, %dma_start3A_182] : memref<2x8x128xi32, #tpu.memory_space<vmem>> -> memref<1x1x128xi32, #tpu.memory_space<vmem>>
      %dma_start3A_184 = tpu.memref_squeeze %dma_start3A_183 : memref<1x1x128xi32, #tpu.memory_space<vmem>> -> memref<128xi32, #tpu.memory_space<vmem>>
      %dma_start3A_185 = arith.constant 0 : i32
      %dma_start3A_186 = arith.constant 0 : i32
      %dma_start3A_187 = tpu.memref_slice %arg3[%dma_start3A_185, %dma_start3A_186] : memref<100000x128xf32, #tpu.memory_space<hbm>> -> memref<100000x128xf32, #tpu.memory_space<hbm>>
      tpu.enqueue_indirect_dma source(%dma_start3A_187 : memref<100000x128xf32, #tpu.memory_space<hbm>>) target(%dma_start3A_181 : memref<128x128xf32, #tpu.memory_space<vmem>>) offsets(%dma_start3A_184 : memref<128xi32, #tpu.memory_space<vmem>>) semaphore(%arg23 : memref<!tpu.dma_semaphore, #tpu.memory_space<semaphore_mem>>)
      %dma_start3A_188 = arith.constant 1 : i32
      %dma_start3A_189 = arith.constant 1 : i32
      %dma_start3A_190 = arith.constant 0 : i32
      %dma_start3A_191 = arith.constant 0 : i32
      %dma_start3A_192 = tpu.memref_slice %arg12[%dma_start3A_189, %dma_start3A_190, %dma_start3A_191] : memref<5x128x128xf32, #tpu.memory_space<vmem>> -> memref<1x128x128xf32, #tpu.memory_space<vmem>>
      %dma_start3A_193 = tpu.memref_squeeze %dma_start3A_192 : memref<1x128x128xf32, #tpu.memory_space<vmem>> -> memref<128x128xf32, #tpu.memory_space<vmem>>
      %dma_start3A_194 = arith.constant 0 : i32
      %dma_start3A_195 = tpu.memref_slice %arg13[%select_n3A_115, %dma_start3A_188, %dma_start3A_194] : memref<2x8x128xi32, #tpu.memory_space<vmem>> -> memref<1x1x128xi32, #tpu.memory_space<vmem>>
      %dma_start3A_196 = tpu.memref_squeeze %dma_start3A_195 : memref<1x1x128xi32, #tpu.memory_space<vmem>> -> memref<128xi32, #tpu.memory_space<vmem>>
      %dma_start3A_197 = arith.constant 0 : i32
      %dma_start3A_198 = arith.constant 0 : i32
      %dma_start3A_199 = tpu.memref_slice %arg3[%dma_start3A_197, %dma_start3A_198] : memref<100000x128xf32, #tpu.memory_space<hbm>> -> memref<100000x128xf32, #tpu.memory_space<hbm>>
      tpu.enqueue_indirect_dma source(%dma_start3A_199 : memref<100000x128xf32, #tpu.memory_space<hbm>>) target(%dma_start3A_193 : memref<128x128xf32, #tpu.memory_space<vmem>>) offsets(%dma_start3A_196 : memref<128xi32, #tpu.memory_space<vmem>>) semaphore(%arg24 : memref<!tpu.dma_semaphore, #tpu.memory_space<semaphore_mem>>)
      %dma_start3A_200 = arith.constant 2 : i32
      %dma_start3A_201 = arith.constant 2 : i32
      %dma_start3A_202 = arith.constant 0 : i32
      %dma_start3A_203 = arith.constant 0 : i32
      %dma_start3A_204 = tpu.memref_slice %arg12[%dma_start3A_201, %dma_start3A_202, %dma_start3A_203] : memref<5x128x128xf32, #tpu.memory_space<vmem>> -> memref<1x128x128xf32, #tpu.memory_space<vmem>>
      %dma_start3A_205 = tpu.memref_squeeze %dma_start3A_204 : memref<1x128x128xf32, #tpu.memory_space<vmem>> -> memref<128x128xf32, #tpu.memory_space<vmem>>
      %dma_start3A_206 = arith.constant 0 : i32
      %dma_start3A_207 = tpu.memref_slice %arg13[%select_n3A_115, %dma_start3A_200, %dma_start3A_206] : memref<2x8x128xi32, #tpu.memory_space<vmem>> -> memref<1x1x128xi32, #tpu.memory_space<vmem>>
      %dma_start3A_208 = tpu.memref_squeeze %dma_start3A_207 : memref<1x1x128xi32, #tpu.memory_space<vmem>> -> memref<128xi32, #tpu.memory_space<vmem>>
      %dma_start3A_209 = arith.constant 0 : i32
      %dma_start3A_210 = arith.constant 0 : i32
      %dma_start3A_211 = tpu.memref_slice %arg3[%dma_start3A_209, %dma_start3A_210] : memref<100000x128xf32, #tpu.memory_space<hbm>> -> memref<100000x128xf32, #tpu.memory_space<hbm>>
      tpu.enqueue_indirect_dma source(%dma_start3A_211 : memref<100000x128xf32, #tpu.memory_space<hbm>>) target(%dma_start3A_205 : memref<128x128xf32, #tpu.memory_space<vmem>>) offsets(%dma_start3A_208 : memref<128xi32, #tpu.memory_space<vmem>>) semaphore(%arg25 : memref<!tpu.dma_semaphore, #tpu.memory_space<semaphore_mem>>)
      %dma_start3A_212 = arith.constant 3 : i32
      %dma_start3A_213 = arith.constant 3 : i32
      %dma_start3A_214 = arith.constant 0 : i32
      %dma_start3A_215 = arith.constant 0 : i32
      %dma_start3A_216 = tpu.memref_slice %arg12[%dma_start3A_213, %dma_start3A_214, %dma_start3A_215] : memref<5x128x128xf32, #tpu.memory_space<vmem>> -> memref<1x128x128xf32, #tpu.memory_space<vmem>>
      %dma_start3A_217 = tpu.memref_squeeze %dma_start3A_216 : memref<1x128x128xf32, #tpu.memory_space<vmem>> -> memref<128x128xf32, #tpu.memory_space<vmem>>
      %dma_start3A_218 = arith.constant 0 : i32
      %dma_start3A_219 = tpu.memref_slice %arg13[%select_n3A_115, %dma_start3A_212, %dma_start3A_218] : memref<2x8x128xi32, #tpu.memory_space<vmem>> -> memref<1x1x128xi32, #tpu.memory_space<vmem>>
      %dma_start3A_220 = tpu.memref_squeeze %dma_start3A_219 : memref<1x1x128xi32, #tpu.memory_space<vmem>> -> memref<128xi32, #tpu.memory_space<vmem>>
      %dma_start3A_221 = arith.constant 0 : i32
      %dma_start3A_222 = arith.constant 0 : i32
      %dma_start3A_223 = tpu.memref_slice %arg3[%dma_start3A_221, %dma_start3A_222] : memref<100000x128xf32, #tpu.memory_space<hbm>> -> memref<100000x128xf32, #tpu.memory_space<hbm>>
      tpu.enqueue_indirect_dma source(%dma_start3A_223 : memref<100000x128xf32, #tpu.memory_space<hbm>>) target(%dma_start3A_217 : memref<128x128xf32, #tpu.memory_space<vmem>>) offsets(%dma_start3A_220 : memref<128xi32, #tpu.memory_space<vmem>>) semaphore(%arg26 : memref<!tpu.dma_semaphore, #tpu.memory_space<semaphore_mem>>)
      %dma_start3A_224 = arith.constant 4 : i32
      %dma_start3A_225 = arith.constant 4 : i32
      %dma_start3A_226 = arith.constant 0 : i32
      %dma_start3A_227 = arith.constant 0 : i32
      %dma_start3A_228 = tpu.memref_slice %arg12[%dma_start3A_225, %dma_start3A_226, %dma_start3A_227] : memref<5x128x128xf32, #tpu.memory_space<vmem>> -> memref<1x128x128xf32, #tpu.memory_space<vmem>>
      %dma_start3A_229 = tpu.memref_squeeze %dma_start3A_228 : memref<1x128x128xf32, #tpu.memory_space<vmem>> -> memref<128x128xf32, #tpu.memory_space<vmem>>
      %dma_start3A_230 = arith.constant 0 : i32
      %dma_start3A_231 = tpu.memref_slice %arg13[%select_n3A_115, %dma_start3A_224, %dma_start3A_230] : memref<2x8x128xi32, #tpu.memory_space<vmem>> -> memref<1x1x128xi32, #tpu.memory_space<vmem>>
      %dma_start3A_232 = tpu.memref_squeeze %dma_start3A_231 : memref<1x1x128xi32, #tpu.memory_space<vmem>> -> memref<128xi32, #tpu.memory_space<vmem>>
      %dma_start3A_233 = arith.constant 0 : i32
      %dma_start3A_234 = arith.constant 0 : i32
      %dma_start3A_235 = tpu.memref_slice %arg3[%dma_start3A_233, %dma_start3A_234] : memref<100000x128xf32, #tpu.memory_space<hbm>> -> memref<100000x128xf32, #tpu.memory_space<hbm>>
      tpu.enqueue_indirect_dma source(%dma_start3A_235 : memref<100000x128xf32, #tpu.memory_space<hbm>>) target(%dma_start3A_229 : memref<128x128xf32, #tpu.memory_space<vmem>>) offsets(%dma_start3A_232 : memref<128xi32, #tpu.memory_space<vmem>>) semaphore(%arg27 : memref<!tpu.dma_semaphore, #tpu.memory_space<semaphore_mem>>)
      %dma_wait3A_236 = arith.constant 0 : i32
      %dma_wait3A_237 = tpu.memref_slice %arg16[%mul3A_0, %dma_wait3A_236] : memref<2304x128xf32, #tpu.memory_space<vmem_shared>> -> memref<64x128xf32, #tpu.memory_space<vmem_shared>>
      tpu.wait_dma2 semaphore(%arg20 : memref<!tpu.dma_semaphore, #tpu.memory_space<semaphore_mem>>) src(%arg7 : memref<64x128xf32, #tpu.memory_space<hbm>>) dst(%dma_wait3A_237 : memref<64x128xf32, #tpu.memory_space<vmem_shared>>)
      %dma_wait3A_238 = arith.constant 0 : i32
      %dma_wait3A_239 = arith.constant 0 : i32
      %dma_wait3A_240 = arith.constant 0 : i32
      %dma_wait3A_241 = arith.constant 0 : i32
      %dma_wait3A_242 = tpu.memref_slice %arg12[%dma_wait3A_239, %dma_wait3A_240, %dma_wait3A_241] : memref<5x128x128xf32, #tpu.memory_space<vmem>> -> memref<1x128x128xf32, #tpu.memory_space<vmem>>
      %dma_wait3A_243 = tpu.memref_squeeze %dma_wait3A_242 : memref<1x128x128xf32, #tpu.memory_space<vmem>> -> memref<128x128xf32, #tpu.memory_space<vmem>>
      %dma_wait3A_244 = arith.constant 0 : i32
      %dma_wait3A_245 = tpu.memref_slice %arg13[%select_n3A_115, %dma_wait3A_238, %dma_wait3A_244] : memref<2x8x128xi32, #tpu.memory_space<vmem>> -> memref<1x1x128xi32, #tpu.memory_space<vmem>>
      %dma_wait3A_246 = tpu.memref_squeeze %dma_wait3A_245 : memref<1x1x128xi32, #tpu.memory_space<vmem>> -> memref<128xi32, #tpu.memory_space<vmem>>
      %dma_wait3A_247 = arith.constant 0 : i32
      %dma_wait3A_248 = arith.constant 0 : i32
      %dma_wait3A_249 = tpu.memref_slice %arg3[%dma_wait3A_247, %dma_wait3A_248] : memref<100000x128xf32, #tpu.memory_space<hbm>> -> memref<100000x128xf32, #tpu.memory_space<hbm>>
      tpu.wait_indirect_dma semaphore(%arg23 : memref<!tpu.dma_semaphore, #tpu.memory_space<semaphore_mem>>) src(%dma_wait3A_249 : memref<100000x128xf32, #tpu.memory_space<hbm>>) dst(%dma_wait3A_243 : memref<128x128xf32, #tpu.memory_space<vmem>>)
      %dma_start3A_250 = arith.constant 0 : i32
      %dma_start3A_251 = arith.constant 0 : i32
      %dma_start3A_252 = arith.constant 0 : i32
      %dma_start3A_253 = arith.constant 0 : i32
      %dma_start3A_254 = tpu.memref_slice %arg12[%dma_start3A_250, %dma_start3A_252, %dma_start3A_253] : memref<5x128x128xf32, #tpu.memory_space<vmem>> -> memref<1x128x128xf32, #tpu.memory_space<vmem>>
      %dma_start3A_255 = tpu.memref_squeeze %dma_start3A_254 : memref<1x128x128xf32, #tpu.memory_space<vmem>> -> memref<128x128xf32, #tpu.memory_space<vmem>>
      %dma_start3A_256 = arith.constant 0 : i32
      %dma_start3A_257 = tpu.memref_slice %arg14[%select_n3A_115, %dma_start3A_251, %dma_start3A_256] : memref<2x8x128xi32, #tpu.memory_space<vmem>> -> memref<1x1x128xi32, #tpu.memory_space<vmem>>
      %dma_start3A_258 = tpu.memref_squeeze %dma_start3A_257 : memref<1x1x128xi32, #tpu.memory_space<vmem>> -> memref<128xi32, #tpu.memory_space<vmem>>
      %dma_start3A_259 = arith.constant 0 : i32
      %dma_start3A_260 = arith.constant 0 : i32
      %dma_start3A_261 = tpu.memref_slice %arg16[%dma_start3A_259, %dma_start3A_260] : memref<2304x128xf32, #tpu.memory_space<vmem_shared>> -> memref<2304x128xf32, #tpu.memory_space<vmem_shared>>
      tpu.enqueue_indirect_dma source(%dma_start3A_255 : memref<128x128xf32, #tpu.memory_space<vmem>>) target(%dma_start3A_261 : memref<2304x128xf32, #tpu.memory_space<vmem_shared>>) offsets(%dma_start3A_258 : memref<128xi32, #tpu.memory_space<vmem>>) semaphore(%arg22 : memref<!tpu.dma_semaphore, #tpu.memory_space<semaphore_mem>>) {add = true}
      %dma_wait3A_262 = arith.constant 1 : i32
      %dma_wait3A_263 = arith.constant 1 : i32
      %dma_wait3A_264 = arith.constant 0 : i32
      %dma_wait3A_265 = arith.constant 0 : i32
      %dma_wait3A_266 = tpu.memref_slice %arg12[%dma_wait3A_263, %dma_wait3A_264, %dma_wait3A_265] : memref<5x128x128xf32, #tpu.memory_space<vmem>> -> memref<1x128x128xf32, #tpu.memory_space<vmem>>
      %dma_wait3A_267 = tpu.memref_squeeze %dma_wait3A_266 : memref<1x128x128xf32, #tpu.memory_space<vmem>> -> memref<128x128xf32, #tpu.memory_space<vmem>>
      %dma_wait3A_268 = arith.constant 0 : i32
      %dma_wait3A_269 = tpu.memref_slice %arg13[%select_n3A_115, %dma_wait3A_262, %dma_wait3A_268] : memref<2x8x128xi32, #tpu.memory_space<vmem>> -> memref<1x1x128xi32, #tpu.memory_space<vmem>>
      %dma_wait3A_270 = tpu.memref_squeeze %dma_wait3A_269 : memref<1x1x128xi32, #tpu.memory_space<vmem>> -> memref<128xi32, #tpu.memory_space<vmem>>
      %dma_wait3A_271 = arith.constant 0 : i32
      %dma_wait3A_272 = arith.constant 0 : i32
      %dma_wait3A_273 = tpu.memref_slice %arg3[%dma_wait3A_271, %dma_wait3A_272] : memref<100000x128xf32, #tpu.memory_space<hbm>> -> memref<100000x128xf32, #tpu.memory_space<hbm>>
      tpu.wait_indirect_dma semaphore(%arg24 : memref<!tpu.dma_semaphore, #tpu.memory_space<semaphore_mem>>) src(%dma_wait3A_273 : memref<100000x128xf32, #tpu.memory_space<hbm>>) dst(%dma_wait3A_267 : memref<128x128xf32, #tpu.memory_space<vmem>>)
      %dma_start3A_274 = arith.constant 1 : i32
      %dma_start3A_275 = arith.constant 1 : i32
      %dma_start3A_276 = arith.constant 0 : i32
      %dma_start3A_277 = arith.constant 0 : i32
      %dma_start3A_278 = tpu.memref_slice %arg12[%dma_start3A_274, %dma_start3A_276, %dma_start3A_277] : memref<5x128x128xf32, #tpu.memory_space<vmem>> -> memref<1x128x128xf32, #tpu.memory_space<vmem>>
      %dma_start3A_279 = tpu.memref_squeeze %dma_start3A_278 : memref<1x128x128xf32, #tpu.memory_space<vmem>> -> memref<128x128xf32, #tpu.memory_space<vmem>>
      %dma_start3A_280 = arith.constant 0 : i32
      %dma_start3A_281 = tpu.memref_slice %arg14[%select_n3A_115, %dma_start3A_275, %dma_start3A_280] : memref<2x8x128xi32, #tpu.memory_space<vmem>> -> memref<1x1x128xi32, #tpu.memory_space<vmem>>
      %dma_start3A_282 = tpu.memref_squeeze %dma_start3A_281 : memref<1x1x128xi32, #tpu.memory_space<vmem>> -> memref<128xi32, #tpu.memory_space<vmem>>
      %dma_start3A_283 = arith.constant 0 : i32
      %dma_start3A_284 = arith.constant 0 : i32
      %dma_start3A_285 = tpu.memref_slice %arg16[%dma_start3A_283, %dma_start3A_284] : memref<2304x128xf32, #tpu.memory_space<vmem_shared>> -> memref<2304x128xf32, #tpu.memory_space<vmem_shared>>
      tpu.enqueue_indirect_dma source(%dma_start3A_279 : memref<128x128xf32, #tpu.memory_space<vmem>>) target(%dma_start3A_285 : memref<2304x128xf32, #tpu.memory_space<vmem_shared>>) offsets(%dma_start3A_282 : memref<128xi32, #tpu.memory_space<vmem>>) semaphore(%arg22 : memref<!tpu.dma_semaphore, #tpu.memory_space<semaphore_mem>>) {add = true}
      %dma_wait3A_286 = arith.constant 2 : i32
      %dma_wait3A_287 = arith.constant 2 : i32
      %dma_wait3A_288 = arith.constant 0 : i32
      %dma_wait3A_289 = arith.constant 0 : i32
      %dma_wait3A_290 = tpu.memref_slice %arg12[%dma_wait3A_287, %dma_wait3A_288, %dma_wait3A_289] : memref<5x128x128xf32, #tpu.memory_space<vmem>> -> memref<1x128x128xf32, #tpu.memory_space<vmem>>
      %dma_wait3A_291 = tpu.memref_squeeze %dma_wait3A_290 : memref<1x128x128xf32, #tpu.memory_space<vmem>> -> memref<128x128xf32, #tpu.memory_space<vmem>>
      %dma_wait3A_292 = arith.constant 0 : i32
      %dma_wait3A_293 = tpu.memref_slice %arg13[%select_n3A_115, %dma_wait3A_286, %dma_wait3A_292] : memref<2x8x128xi32, #tpu.memory_space<vmem>> -> memref<1x1x128xi32, #tpu.memory_space<vmem>>
      %dma_wait3A_294 = tpu.memref_squeeze %dma_wait3A_293 : memref<1x1x128xi32, #tpu.memory_space<vmem>> -> memref<128xi32, #tpu.memory_space<vmem>>
      %dma_wait3A_295 = arith.constant 0 : i32
      %dma_wait3A_296 = arith.constant 0 : i32
      %dma_wait3A_297 = tpu.memref_slice %arg3[%dma_wait3A_295, %dma_wait3A_296] : memref<100000x128xf32, #tpu.memory_space<hbm>> -> memref<100000x128xf32, #tpu.memory_space<hbm>>
      tpu.wait_indirect_dma semaphore(%arg25 : memref<!tpu.dma_semaphore, #tpu.memory_space<semaphore_mem>>) src(%dma_wait3A_297 : memref<100000x128xf32, #tpu.memory_space<hbm>>) dst(%dma_wait3A_291 : memref<128x128xf32, #tpu.memory_space<vmem>>)
      %dma_start3A_298 = arith.constant 2 : i32
      %dma_start3A_299 = arith.constant 2 : i32
      %dma_start3A_300 = arith.constant 0 : i32
      %dma_start3A_301 = arith.constant 0 : i32
      %dma_start3A_302 = tpu.memref_slice %arg12[%dma_start3A_298, %dma_start3A_300, %dma_start3A_301] : memref<5x128x128xf32, #tpu.memory_space<vmem>> -> memref<1x128x128xf32, #tpu.memory_space<vmem>>
      %dma_start3A_303 = tpu.memref_squeeze %dma_start3A_302 : memref<1x128x128xf32, #tpu.memory_space<vmem>> -> memref<128x128xf32, #tpu.memory_space<vmem>>
      %dma_start3A_304 = arith.constant 0 : i32
      %dma_start3A_305 = tpu.memref_slice %arg14[%select_n3A_115, %dma_start3A_299, %dma_start3A_304] : memref<2x8x128xi32, #tpu.memory_space<vmem>> -> memref<1x1x128xi32, #tpu.memory_space<vmem>>
      %dma_start3A_306 = tpu.memref_squeeze %dma_start3A_305 : memref<1x1x128xi32, #tpu.memory_space<vmem>> -> memref<128xi32, #tpu.memory_space<vmem>>
      %dma_start3A_307 = arith.constant 0 : i32
      %dma_start3A_308 = arith.constant 0 : i32
      %dma_start3A_309 = tpu.memref_slice %arg16[%dma_start3A_307, %dma_start3A_308] : memref<2304x128xf32, #tpu.memory_space<vmem_shared>> -> memref<2304x128xf32, #tpu.memory_space<vmem_shared>>
      tpu.enqueue_indirect_dma source(%dma_start3A_303 : memref<128x128xf32, #tpu.memory_space<vmem>>) target(%dma_start3A_309 : memref<2304x128xf32, #tpu.memory_space<vmem_shared>>) offsets(%dma_start3A_306 : memref<128xi32, #tpu.memory_space<vmem>>) semaphore(%arg22 : memref<!tpu.dma_semaphore, #tpu.memory_space<semaphore_mem>>) {add = true}
      %dma_wait3A_310 = arith.constant 3 : i32
      %dma_wait3A_311 = arith.constant 3 : i32
      %dma_wait3A_312 = arith.constant 0 : i32
      %dma_wait3A_313 = arith.constant 0 : i32
      %dma_wait3A_314 = tpu.memref_slice %arg12[%dma_wait3A_311, %dma_wait3A_312, %dma_wait3A_313] : memref<5x128x128xf32, #tpu.memory_space<vmem>> -> memref<1x128x128xf32, #tpu.memory_space<vmem>>
      %dma_wait3A_315 = tpu.memref_squeeze %dma_wait3A_314 : memref<1x128x128xf32, #tpu.memory_space<vmem>> -> memref<128x128xf32, #tpu.memory_space<vmem>>
      %dma_wait3A_316 = arith.constant 0 : i32
      %dma_wait3A_317 = tpu.memref_slice %arg13[%select_n3A_115, %dma_wait3A_310, %dma_wait3A_316] : memref<2x8x128xi32, #tpu.memory_space<vmem>> -> memref<1x1x128xi32, #tpu.memory_space<vmem>>
      %dma_wait3A_318 = tpu.memref_squeeze %dma_wait3A_317 : memref<1x1x128xi32, #tpu.memory_space<vmem>> -> memref<128xi32, #tpu.memory_space<vmem>>
      %dma_wait3A_319 = arith.constant 0 : i32
      %dma_wait3A_320 = arith.constant 0 : i32
      %dma_wait3A_321 = tpu.memref_slice %arg3[%dma_wait3A_319, %dma_wait3A_320] : memref<100000x128xf32, #tpu.memory_space<hbm>> -> memref<100000x128xf32, #tpu.memory_space<hbm>>
      tpu.wait_indirect_dma semaphore(%arg26 : memref<!tpu.dma_semaphore, #tpu.memory_space<semaphore_mem>>) src(%dma_wait3A_321 : memref<100000x128xf32, #tpu.memory_space<hbm>>) dst(%dma_wait3A_315 : memref<128x128xf32, #tpu.memory_space<vmem>>)
      %dma_start3A_322 = arith.constant 3 : i32
      %dma_start3A_323 = arith.constant 3 : i32
      %dma_start3A_324 = arith.constant 0 : i32
      %dma_start3A_325 = arith.constant 0 : i32
      %dma_start3A_326 = tpu.memref_slice %arg12[%dma_start3A_322, %dma_start3A_324, %dma_start3A_325] : memref<5x128x128xf32, #tpu.memory_space<vmem>> -> memref<1x128x128xf32, #tpu.memory_space<vmem>>
      %dma_start3A_327 = tpu.memref_squeeze %dma_start3A_326 : memref<1x128x128xf32, #tpu.memory_space<vmem>> -> memref<128x128xf32, #tpu.memory_space<vmem>>
      %dma_start3A_328 = arith.constant 0 : i32
      %dma_start3A_329 = tpu.memref_slice %arg14[%select_n3A_115, %dma_start3A_323, %dma_start3A_328] : memref<2x8x128xi32, #tpu.memory_space<vmem>> -> memref<1x1x128xi32, #tpu.memory_space<vmem>>
      %dma_start3A_330 = tpu.memref_squeeze %dma_start3A_329 : memref<1x1x128xi32, #tpu.memory_space<vmem>> -> memref<128xi32, #tpu.memory_space<vmem>>
      %dma_start3A_331 = arith.constant 0 : i32
      %dma_start3A_332 = arith.constant 0 : i32
      %dma_start3A_333 = tpu.memref_slice %arg16[%dma_start3A_331, %dma_start3A_332] : memref<2304x128xf32, #tpu.memory_space<vmem_shared>> -> memref<2304x128xf32, #tpu.memory_space<vmem_shared>>
      tpu.enqueue_indirect_dma source(%dma_start3A_327 : memref<128x128xf32, #tpu.memory_space<vmem>>) target(%dma_start3A_333 : memref<2304x128xf32, #tpu.memory_space<vmem_shared>>) offsets(%dma_start3A_330 : memref<128xi32, #tpu.memory_space<vmem>>) semaphore(%arg22 : memref<!tpu.dma_semaphore, #tpu.memory_space<semaphore_mem>>) {add = true}
      %dma_wait3A_334 = arith.constant 4 : i32
      %dma_wait3A_335 = arith.constant 4 : i32
      %dma_wait3A_336 = arith.constant 0 : i32
      %dma_wait3A_337 = arith.constant 0 : i32
      %dma_wait3A_338 = tpu.memref_slice %arg12[%dma_wait3A_335, %dma_wait3A_336, %dma_wait3A_337] : memref<5x128x128xf32, #tpu.memory_space<vmem>> -> memref<1x128x128xf32, #tpu.memory_space<vmem>>
      %dma_wait3A_339 = tpu.memref_squeeze %dma_wait3A_338 : memref<1x128x128xf32, #tpu.memory_space<vmem>> -> memref<128x128xf32, #tpu.memory_space<vmem>>
      %dma_wait3A_340 = arith.constant 0 : i32
      %dma_wait3A_341 = tpu.memref_slice %arg13[%select_n3A_115, %dma_wait3A_334, %dma_wait3A_340] : memref<2x8x128xi32, #tpu.memory_space<vmem>> -> memref<1x1x128xi32, #tpu.memory_space<vmem>>
      %dma_wait3A_342 = tpu.memref_squeeze %dma_wait3A_341 : memref<1x1x128xi32, #tpu.memory_space<vmem>> -> memref<128xi32, #tpu.memory_space<vmem>>
      %dma_wait3A_343 = arith.constant 0 : i32
      %dma_wait3A_344 = arith.constant 0 : i32
      %dma_wait3A_345 = tpu.memref_slice %arg3[%dma_wait3A_343, %dma_wait3A_344] : memref<100000x128xf32, #tpu.memory_space<hbm>> -> memref<100000x128xf32, #tpu.memory_space<hbm>>
      tpu.wait_indirect_dma semaphore(%arg27 : memref<!tpu.dma_semaphore, #tpu.memory_space<semaphore_mem>>) src(%dma_wait3A_345 : memref<100000x128xf32, #tpu.memory_space<hbm>>) dst(%dma_wait3A_339 : memref<128x128xf32, #tpu.memory_space<vmem>>)
      %dma_start3A_346 = arith.constant 4 : i32
      %dma_start3A_347 = arith.constant 4 : i32
      %dma_start3A_348 = arith.constant 0 : i32
      %dma_start3A_349 = arith.constant 0 : i32
      %dma_start3A_350 = tpu.memref_slice %arg12[%dma_start3A_346, %dma_start3A_348, %dma_start3A_349] : memref<5x128x128xf32, #tpu.memory_space<vmem>> -> memref<1x128x128xf32, #tpu.memory_space<vmem>>
      %dma_start3A_351 = tpu.memref_squeeze %dma_start3A_350 : memref<1x128x128xf32, #tpu.memory_space<vmem>> -> memref<128x128xf32, #tpu.memory_space<vmem>>
      %dma_start3A_352 = arith.constant 0 : i32
      %dma_start3A_353 = tpu.memref_slice %arg14[%select_n3A_115, %dma_start3A_347, %dma_start3A_352] : memref<2x8x128xi32, #tpu.memory_space<vmem>> -> memref<1x1x128xi32, #tpu.memory_space<vmem>>
      %dma_start3A_354 = tpu.memref_squeeze %dma_start3A_353 : memref<1x1x128xi32, #tpu.memory_space<vmem>> -> memref<128xi32, #tpu.memory_space<vmem>>
      %dma_start3A_355 = arith.constant 0 : i32
      %dma_start3A_356 = arith.constant 0 : i32
      %dma_start3A_357 = tpu.memref_slice %arg16[%dma_start3A_355, %dma_start3A_356] : memref<2304x128xf32, #tpu.memory_space<vmem_shared>> -> memref<2304x128xf32, #tpu.memory_space<vmem_shared>>
      tpu.enqueue_indirect_dma source(%dma_start3A_351 : memref<128x128xf32, #tpu.memory_space<vmem>>) target(%dma_start3A_357 : memref<2304x128xf32, #tpu.memory_space<vmem_shared>>) offsets(%dma_start3A_354 : memref<128xi32, #tpu.memory_space<vmem>>) semaphore(%arg22 : memref<!tpu.dma_semaphore, #tpu.memory_space<semaphore_mem>>) {add = true}
      %ge3A_358 = arith.constant 1 : i32
      %ge3A_359 = arith.cmpi sge, %scan3A_101, %ge3A_358 : i32
      %convert_element_type3A_360 = arith.extui %ge3A_359 : i1 to i32
      %cond3A_361 = arith.constant 0 : i32
      %cond3A_362 = arith.cmpi ne, %convert_element_type3A_360, %cond3A_361 : i32
      scf.if %cond3A_362 {
        %dma_wait3A_457 = arith.constant 0 : i32
        %dma_wait3A_458 = arith.constant 0 : i32
        %dma_wait3A_459 = tpu.memref_slice %arg9[%dma_wait3A_457, %dma_wait3A_458] : memref<51200x128xf32, #tpu.memory_space<hbm>> -> memref<64x128xf32, #tpu.memory_space<hbm>>
        %dma_wait3A_460 = arith.constant 0 : i32
        %dma_wait3A_461 = tpu.memref_slice %arg16[%mul3A_0, %dma_wait3A_460] : memref<2304x128xf32, #tpu.memory_space<vmem_shared>> -> memref<64x128xf32, #tpu.memory_space<vmem_shared>>
        tpu.wait_dma2 semaphore(%arg21 : memref<!tpu.dma_semaphore, #tpu.memory_space<semaphore_mem>>) src(%dma_wait3A_461 : memref<64x128xf32, #tpu.memory_space<vmem_shared>>) dst(%dma_wait3A_459 : memref<64x128xf32, #tpu.memory_space<hbm>>)
      } else {
      }
      %lt3A_363 = arith.constant 24 : i32
      %lt3A_364 = arith.cmpi slt, %scan3A_101, %lt3A_363 : i32
      %convert_element_type3A_365 = arith.extui %lt3A_364 : i1 to i32
      %cond3A_366 = arith.constant 0 : i32
      %cond3A_367 = arith.cmpi ne, %convert_element_type3A_365, %cond3A_366 : i32
      scf.if %cond3A_367 {
        %mul3A_457 = arith.constant 72 : i32
        %mul3A_458 = arith.muli %sub3A_117, %mul3A_457 : i32
        %add3A_459 = arith.addi %mul3A_0, %mul3A_458 : i32
        %dma_start3A_460 = arith.constant 0 : i32
        %dma_start3A_461 = tpu.memref_slice %arg16[%add3A_459, %dma_start3A_460] : memref<2304x128xf32, #tpu.memory_space<vmem_shared>> -> memref<64x128xf32, #tpu.memory_space<vmem_shared>>
        %dma_start3A_462 = arith.constant 0 : i32
        %dma_start3A_463 = tpu.memref_slice %arg16[%add3A_459, %dma_start3A_462] : memref<2304x128xf32, #tpu.memory_space<vmem_shared>> -> memref<64x128xf32, #tpu.memory_space<vmem_shared>>
        tpu.enqueue_dma source(%arg15 : memref<64x128xf32, #tpu.memory_space<vmem>>) target(%dma_start3A_463 : memref<64x128xf32, #tpu.memory_space<vmem_shared>>) target_semaphore(%arg20 : memref<!tpu.dma_semaphore, #tpu.memory_space<semaphore_mem>>)
      } else {
      }
      %dma_wait3A_368 = arith.constant 0 : i32
      %dma_wait3A_369 = arith.constant 0 : i32
      %dma_wait3A_370 = arith.constant 0 : i32
      %dma_wait3A_371 = arith.constant 0 : i32
      %dma_wait3A_372 = tpu.memref_slice %arg12[%dma_wait3A_368, %dma_wait3A_370, %dma_wait3A_371] : memref<5x128x128xf32, #tpu.memory_space<vmem>> -> memref<1x128x128xf32, #tpu.memory_space<vmem>>
      %dma_wait3A_373 = tpu.memref_squeeze %dma_wait3A_372 : memref<1x128x128xf32, #tpu.memory_space<vmem>> -> memref<128x128xf32, #tpu.memory_space<vmem>>
      %dma_wait3A_374 = arith.constant 0 : i32
      %dma_wait3A_375 = tpu.memref_slice %arg14[%select_n3A_115, %dma_wait3A_369, %dma_wait3A_374] : memref<2x8x128xi32, #tpu.memory_space<vmem>> -> memref<1x1x128xi32, #tpu.memory_space<vmem>>
      %dma_wait3A_376 = tpu.memref_squeeze %dma_wait3A_375 : memref<1x1x128xi32, #tpu.memory_space<vmem>> -> memref<128xi32, #tpu.memory_space<vmem>>
      %dma_wait3A_377 = arith.constant 0 : i32
      %dma_wait3A_378 = arith.constant 0 : i32
      %dma_wait3A_379 = tpu.memref_slice %arg16[%dma_wait3A_377, %dma_wait3A_378] : memref<2304x128xf32, #tpu.memory_space<vmem_shared>> -> memref<2304x128xf32, #tpu.memory_space<vmem_shared>>
      tpu.wait_indirect_dma semaphore(%arg22 : memref<!tpu.dma_semaphore, #tpu.memory_space<semaphore_mem>>) src(%dma_wait3A_373 : memref<128x128xf32, #tpu.memory_space<vmem>>) dst(%dma_wait3A_379 : memref<2304x128xf32, #tpu.memory_space<vmem_shared>>)
      %dma_wait3A_380 = arith.constant 1 : i32
      %dma_wait3A_381 = arith.constant 1 : i32
      %dma_wait3A_382 = arith.constant 0 : i32
      %dma_wait3A_383 = arith.constant 0 : i32
      %dma_wait3A_384 = tpu.memref_slice %arg12[%dma_wait3A_380, %dma_wait3A_382, %dma_wait3A_383] : memref<5x128x128xf32, #tpu.memory_space<vmem>> -> memref<1x128x128xf32, #tpu.memory_space<vmem>>
      %dma_wait3A_385 = tpu.memref_squeeze %dma_wait3A_384 : memref<1x128x128xf32, #tpu.memory_space<vmem>> -> memref<128x128xf32, #tpu.memory_space<vmem>>
      %dma_wait3A_386 = arith.constant 0 : i32
      %dma_wait3A_387 = tpu.memref_slice %arg14[%select_n3A_115, %dma_wait3A_381, %dma_wait3A_386] : memref<2x8x128xi32, #tpu.memory_space<vmem>> -> memref<1x1x128xi32, #tpu.memory_space<vmem>>
      %dma_wait3A_388 = tpu.memref_squeeze %dma_wait3A_387 : memref<1x1x128xi32, #tpu.memory_space<vmem>> -> memref<128xi32, #tpu.memory_space<vmem>>
      %dma_wait3A_389 = arith.constant 0 : i32
      %dma_wait3A_390 = arith.constant 0 : i32
      %dma_wait3A_391 = tpu.memref_slice %arg16[%dma_wait3A_389, %dma_wait3A_390] : memref<2304x128xf32, #tpu.memory_space<vmem_shared>> -> memref<2304x128xf32, #tpu.memory_space<vmem_shared>>
      tpu.wait_indirect_dma semaphore(%arg22 : memref<!tpu.dma_semaphore, #tpu.memory_space<semaphore_mem>>) src(%dma_wait3A_385 : memref<128x128xf32, #tpu.memory_space<vmem>>) dst(%dma_wait3A_391 : memref<2304x128xf32, #tpu.memory_space<vmem_shared>>)
      %dma_wait3A_392 = arith.constant 2 : i32
      %dma_wait3A_393 = arith.constant 2 : i32
      %dma_wait3A_394 = arith.constant 0 : i32
      %dma_wait3A_395 = arith.constant 0 : i32
      %dma_wait3A_396 = tpu.memref_slice %arg12[%dma_wait3A_392, %dma_wait3A_394, %dma_wait3A_395] : memref<5x128x128xf32, #tpu.memory_space<vmem>> -> memref<1x128x128xf32, #tpu.memory_space<vmem>>
      %dma_wait3A_397 = tpu.memref_squeeze %dma_wait3A_396 : memref<1x128x128xf32, #tpu.memory_space<vmem>> -> memref<128x128xf32, #tpu.memory_space<vmem>>
      %dma_wait3A_398 = arith.constant 0 : i32
      %dma_wait3A_399 = tpu.memref_slice %arg14[%select_n3A_115, %dma_wait3A_393, %dma_wait3A_398] : memref<2x8x128xi32, #tpu.memory_space<vmem>> -> memref<1x1x128xi32, #tpu.memory_space<vmem>>
      %dma_wait3A_400 = tpu.memref_squeeze %dma_wait3A_399 : memref<1x1x128xi32, #tpu.memory_space<vmem>> -> memref<128xi32, #tpu.memory_space<vmem>>
      %dma_wait3A_401 = arith.constant 0 : i32
      %dma_wait3A_402 = arith.constant 0 : i32
      %dma_wait3A_403 = tpu.memref_slice %arg16[%dma_wait3A_401, %dma_wait3A_402] : memref<2304x128xf32, #tpu.memory_space<vmem_shared>> -> memref<2304x128xf32, #tpu.memory_space<vmem_shared>>
      tpu.wait_indirect_dma semaphore(%arg22 : memref<!tpu.dma_semaphore, #tpu.memory_space<semaphore_mem>>) src(%dma_wait3A_397 : memref<128x128xf32, #tpu.memory_space<vmem>>) dst(%dma_wait3A_403 : memref<2304x128xf32, #tpu.memory_space<vmem_shared>>)
      %dma_wait3A_404 = arith.constant 3 : i32
      %dma_wait3A_405 = arith.constant 3 : i32
      %dma_wait3A_406 = arith.constant 0 : i32
      %dma_wait3A_407 = arith.constant 0 : i32
      %dma_wait3A_408 = tpu.memref_slice %arg12[%dma_wait3A_404, %dma_wait3A_406, %dma_wait3A_407] : memref<5x128x128xf32, #tpu.memory_space<vmem>> -> memref<1x128x128xf32, #tpu.memory_space<vmem>>
      %dma_wait3A_409 = tpu.memref_squeeze %dma_wait3A_408 : memref<1x128x128xf32, #tpu.memory_space<vmem>> -> memref<128x128xf32, #tpu.memory_space<vmem>>
      %dma_wait3A_410 = arith.constant 0 : i32
      %dma_wait3A_411 = tpu.memref_slice %arg14[%select_n3A_115, %dma_wait3A_405, %dma_wait3A_410] : memref<2x8x128xi32, #tpu.memory_space<vmem>> -> memref<1x1x128xi32, #tpu.memory_space<vmem>>
      %dma_wait3A_412 = tpu.memref_squeeze %dma_wait3A_411 : memref<1x1x128xi32, #tpu.memory_space<vmem>> -> memref<128xi32, #tpu.memory_space<vmem>>
      %dma_wait3A_413 = arith.constant 0 : i32
      %dma_wait3A_414 = arith.constant 0 : i32
      %dma_wait3A_415 = tpu.memref_slice %arg16[%dma_wait3A_413, %dma_wait3A_414] : memref<2304x128xf32, #tpu.memory_space<vmem_shared>> -> memref<2304x128xf32, #tpu.memory_space<vmem_shared>>
      tpu.wait_indirect_dma semaphore(%arg22 : memref<!tpu.dma_semaphore, #tpu.memory_space<semaphore_mem>>) src(%dma_wait3A_409 : memref<128x128xf32, #tpu.memory_space<vmem>>) dst(%dma_wait3A_415 : memref<2304x128xf32, #tpu.memory_space<vmem_shared>>)
      %dma_wait3A_416 = arith.constant 4 : i32
      %dma_wait3A_417 = arith.constant 4 : i32
      %dma_wait3A_418 = arith.constant 0 : i32
      %dma_wait3A_419 = arith.constant 0 : i32
      %dma_wait3A_420 = tpu.memref_slice %arg12[%dma_wait3A_416, %dma_wait3A_418, %dma_wait3A_419] : memref<5x128x128xf32, #tpu.memory_space<vmem>> -> memref<1x128x128xf32, #tpu.memory_space<vmem>>
      %dma_wait3A_421 = tpu.memref_squeeze %dma_wait3A_420 : memref<1x128x128xf32, #tpu.memory_space<vmem>> -> memref<128x128xf32, #tpu.memory_space<vmem>>
      %dma_wait3A_422 = arith.constant 0 : i32
      %dma_wait3A_423 = tpu.memref_slice %arg14[%select_n3A_115, %dma_wait3A_417, %dma_wait3A_422] : memref<2x8x128xi32, #tpu.memory_space<vmem>> -> memref<1x1x128xi32, #tpu.memory_space<vmem>>
      %dma_wait3A_424 = tpu.memref_squeeze %dma_wait3A_423 : memref<1x1x128xi32, #tpu.memory_space<vmem>> -> memref<128xi32, #tpu.memory_space<vmem>>
      %dma_wait3A_425 = arith.constant 0 : i32
      %dma_wait3A_426 = arith.constant 0 : i32
      %dma_wait3A_427 = tpu.memref_slice %arg16[%dma_wait3A_425, %dma_wait3A_426] : memref<2304x128xf32, #tpu.memory_space<vmem_shared>> -> memref<2304x128xf32, #tpu.memory_space<vmem_shared>>
      tpu.wait_indirect_dma semaphore(%arg22 : memref<!tpu.dma_semaphore, #tpu.memory_space<semaphore_mem>>) src(%dma_wait3A_421 : memref<128x128xf32, #tpu.memory_space<vmem>>) dst(%dma_wait3A_427 : memref<2304x128xf32, #tpu.memory_space<vmem_shared>>)
      %mul3A_428 = arith.constant 72 : i32
      %mul3A_429 = arith.muli %select_n3A_115, %mul3A_428 : i32
      %add3A_430 = arith.addi %mul3A_0, %mul3A_429 : i32
      %dma_start3A_431 = arith.constant 0 : i32
      %dma_start3A_432 = tpu.memref_slice %arg9[%add3A_120, %dma_start3A_431] : memref<51200x128xf32, #tpu.memory_space<hbm>> -> memref<64x128xf32, #tpu.memory_space<hbm>>
      %dma_start3A_433 = arith.constant 0 : i32
      %dma_start3A_434 = tpu.memref_slice %arg16[%add3A_430, %dma_start3A_433] : memref<2304x128xf32, #tpu.memory_space<vmem_shared>> -> memref<64x128xf32, #tpu.memory_space<vmem_shared>>
      tpu.enqueue_dma source(%dma_start3A_434 : memref<64x128xf32, #tpu.memory_space<vmem_shared>>) target(%dma_start3A_432 : memref<64x128xf32, #tpu.memory_space<hbm>>) target_semaphore(%arg21 : memref<!tpu.dma_semaphore, #tpu.memory_space<semaphore_mem>>)
      %dma_wait3A_435 = arith.constant 0 : i32
      %dma_wait3A_436 = arith.constant 0 : i32
      %dma_wait3A_437 = tpu.memref_slice %arg11[%select_n3A_115, %dma_wait3A_435, %dma_wait3A_436] : memref<2x64x128xf32, #tpu.memory_space<vmem>> -> memref<1x64x128xf32, #tpu.memory_space<vmem>>
      %dma_wait3A_438 = tpu.memref_squeeze %dma_wait3A_437 : memref<1x64x128xf32, #tpu.memory_space<vmem>> -> memref<64x128xf32, #tpu.memory_space<vmem>>
      %dma_wait3A_439 = arith.constant 0 : i32
      %dma_wait3A_440 = tpu.memref_slice %arg10[%select_n3A_115, %dma_wait3A_439] : memref<2x64xi32, #tpu.memory_space<vmem>> -> memref<1x64xi32, #tpu.memory_space<vmem>>
      %dma_wait3A_441 = tpu.memref_squeeze %dma_wait3A_440 : memref<1x64xi32, #tpu.memory_space<vmem>> -> memref<64xi32, #tpu.memory_space<vmem>>
      %dma_wait3A_442 = arith.constant 0 : i32
      %dma_wait3A_443 = arith.constant 0 : i32
      %dma_wait3A_444 = tpu.memref_slice %arg2[%dma_wait3A_442, %dma_wait3A_443] : memref<100000x128xf32, #tpu.memory_space<hbm>> -> memref<100000x128xf32, #tpu.memory_space<hbm>>
      tpu.wait_indirect_dma semaphore(%arg18 : memref<!tpu.dma_semaphore, #tpu.memory_space<semaphore_mem>>) src(%dma_wait3A_444 : memref<100000x128xf32, #tpu.memory_space<hbm>>) dst(%dma_wait3A_438 : memref<64x128xf32, #tpu.memory_space<vmem>>)
      %dma_start3A_445 = arith.constant 0 : i32
      %dma_start3A_446 = arith.constant 0 : i32
      %dma_start3A_447 = tpu.memref_slice %arg11[%select_n3A_115, %dma_start3A_445, %dma_start3A_446] : memref<2x64x128xf32, #tpu.memory_space<vmem>> -> memref<1x64x128xf32, #tpu.memory_space<vmem>>
      %dma_start3A_448 = tpu.memref_squeeze %dma_start3A_447 : memref<1x64x128xf32, #tpu.memory_space<vmem>> -> memref<64x128xf32, #tpu.memory_space<vmem>>
      %dma_start3A_449 = arith.constant 0 : i32
      %dma_start3A_450 = tpu.memref_slice %arg8[%add3A_120, %dma_start3A_449] : memref<51200x128xf32, #tpu.memory_space<hbm>> -> memref<64x128xf32, #tpu.memory_space<hbm>>
      %dma_start3A_451 = arith.constant 0 : i32
      %dma_start3A_452 = tpu.memref_slice %arg8[%add3A_120, %dma_start3A_451] : memref<51200x128xf32, #tpu.memory_space<hbm>> -> memref<64x128xf32, #tpu.memory_space<hbm>>
      %dma_start3A_453 = arith.constant 0 : i32
      %dma_start3A_454 = arith.constant 0 : i32
      %dma_start3A_455 = tpu.memref_slice %arg11[%select_n3A_115, %dma_start3A_453, %dma_start3A_454] : memref<2x64x128xf32, #tpu.memory_space<vmem>> -> memref<1x64x128xf32, #tpu.memory_space<vmem>>
      %dma_start3A_456 = tpu.memref_squeeze %dma_start3A_455 : memref<1x64x128xf32, #tpu.memory_space<vmem>> -> memref<64x128xf32, #tpu.memory_space<vmem>>
      tpu.enqueue_dma source(%dma_start3A_456 : memref<64x128xf32, #tpu.memory_space<vmem>>) target(%dma_start3A_452 : memref<64x128xf32, #tpu.memory_space<hbm>>) target_semaphore(%arg19 : memref<!tpu.dma_semaphore, #tpu.memory_space<semaphore_mem>>)
    }
    %scan3A_66 = arith.constant 25 : i32
    %dma_wait3A = arith.constant 0 : i32
    %dma_wait3A_67 = arith.constant 0 : i32
    %dma_wait3A_68 = tpu.memref_slice %arg9[%dma_wait3A, %dma_wait3A_67] : memref<51200x128xf32, #tpu.memory_space<hbm>> -> memref<64x128xf32, #tpu.memory_space<hbm>>
    %dma_wait3A_69 = arith.constant 0 : i32
    %dma_wait3A_70 = tpu.memref_slice %arg16[%mul3A_0, %dma_wait3A_69] : memref<2304x128xf32, #tpu.memory_space<vmem_shared>> -> memref<64x128xf32, #tpu.memory_space<vmem_shared>>
    tpu.wait_dma2 semaphore(%arg21 : memref<!tpu.dma_semaphore, #tpu.memory_space<semaphore_mem>>) src(%dma_wait3A_70 : memref<64x128xf32, #tpu.memory_space<vmem_shared>>) dst(%dma_wait3A_68 : memref<64x128xf32, #tpu.memory_space<hbm>>)
    %dma_wait3A_71 = arith.constant 0 : i32
    %dma_wait3A_72 = arith.constant 0 : i32
    %dma_wait3A_73 = arith.constant 0 : i32
    %dma_wait3A_74 = tpu.memref_slice %arg11[%dma_wait3A_71, %dma_wait3A_72, %dma_wait3A_73] : memref<2x64x128xf32, #tpu.memory_space<vmem>> -> memref<1x64x128xf32, #tpu.memory_space<vmem>>
    %dma_wait3A_75 = tpu.memref_squeeze %dma_wait3A_74 : memref<1x64x128xf32, #tpu.memory_space<vmem>> -> memref<64x128xf32, #tpu.memory_space<vmem>>
    %dma_wait3A_76 = arith.constant 0 : i32
    %dma_wait3A_77 = arith.constant 0 : i32
    %dma_wait3A_78 = tpu.memref_slice %arg8[%dma_wait3A_76, %dma_wait3A_77] : memref<51200x128xf32, #tpu.memory_space<hbm>> -> memref<64x128xf32, #tpu.memory_space<hbm>>
    %dma_wait3A_79 = arith.constant 0 : i32
    %dma_wait3A_80 = arith.constant 0 : i32
    %dma_wait3A_81 = tpu.memref_slice %arg8[%dma_wait3A_79, %dma_wait3A_80] : memref<51200x128xf32, #tpu.memory_space<hbm>> -> memref<64x128xf32, #tpu.memory_space<hbm>>
    %dma_wait3A_82 = arith.constant 0 : i32
    %dma_wait3A_83 = arith.constant 0 : i32
    %dma_wait3A_84 = tpu.memref_slice %arg11[%dma_wait3A_71, %dma_wait3A_82, %dma_wait3A_83] : memref<2x64x128xf32, #tpu.memory_space<vmem>> -> memref<1x64x128xf32, #tpu.memory_space<vmem>>
    %dma_wait3A_85 = tpu.memref_squeeze %dma_wait3A_84 : memref<1x64x128xf32, #tpu.memory_space<vmem>> -> memref<64x128xf32, #tpu.memory_space<vmem>>
    tpu.wait_dma2 semaphore(%arg19 : memref<!tpu.dma_semaphore, #tpu.memory_space<semaphore_mem>>) src(%dma_wait3A_85 : memref<64x128xf32, #tpu.memory_space<vmem>>) dst(%dma_wait3A_81 : memref<64x128xf32, #tpu.memory_space<hbm>>)
    %dma_wait3A_86 = arith.constant 1 : i32
    %dma_wait3A_87 = arith.constant 0 : i32
    %dma_wait3A_88 = arith.constant 0 : i32
    %dma_wait3A_89 = tpu.memref_slice %arg11[%dma_wait3A_86, %dma_wait3A_87, %dma_wait3A_88] : memref<2x64x128xf32, #tpu.memory_space<vmem>> -> memref<1x64x128xf32, #tpu.memory_space<vmem>>
    %dma_wait3A_90 = tpu.memref_squeeze %dma_wait3A_89 : memref<1x64x128xf32, #tpu.memory_space<vmem>> -> memref<64x128xf32, #tpu.memory_space<vmem>>
    %dma_wait3A_91 = arith.constant 0 : i32
    %dma_wait3A_92 = arith.constant 0 : i32
    %dma_wait3A_93 = tpu.memref_slice %arg8[%dma_wait3A_91, %dma_wait3A_92] : memref<51200x128xf32, #tpu.memory_space<hbm>> -> memref<64x128xf32, #tpu.memory_space<hbm>>
    %dma_wait3A_94 = arith.constant 0 : i32
    %dma_wait3A_95 = arith.constant 0 : i32
    %dma_wait3A_96 = tpu.memref_slice %arg8[%dma_wait3A_94, %dma_wait3A_95] : memref<51200x128xf32, #tpu.memory_space<hbm>> -> memref<64x128xf32, #tpu.memory_space<hbm>>
    %dma_wait3A_97 = arith.constant 0 : i32
    %dma_wait3A_98 = arith.constant 0 : i32
    %dma_wait3A_99 = tpu.memref_slice %arg11[%dma_wait3A_86, %dma_wait3A_97, %dma_wait3A_98] : memref<2x64x128xf32, #tpu.memory_space<vmem>> -> memref<1x64x128xf32, #tpu.memory_space<vmem>>
    %dma_wait3A_100 = tpu.memref_squeeze %dma_wait3A_99 : memref<1x64x128xf32, #tpu.memory_space<vmem>> -> memref<64x128xf32, #tpu.memory_space<vmem>>
    tpu.wait_dma2 semaphore(%arg19 : memref<!tpu.dma_semaphore, #tpu.memory_space<semaphore_mem>>) src(%dma_wait3A_100 : memref<64x128xf32, #tpu.memory_space<vmem>>) dst(%dma_wait3A_96 : memref<64x128xf32, #tpu.memory_space<hbm>>)
    return
  }
}

module attributes {stable_mosaic.version = 14 : i64} {
  func.func @_tc_body(%arg0: i32, %arg1: memref<4096x128xf32, #tpu.memory_space<vmem>>, %arg2: memref<4096x128xf32, #tpu.memory_space<vmem>>, %arg3: memref<4096x1xf32, #tpu.memory_space<vmem>>, %arg4: memref<128x128xf32, #tpu.memory_space<vmem>>, %arg5: memref<128x128xf32, #tpu.memory_space<vmem>>, %arg6: memref<128x4096xf32, #tpu.memory_space<vmem>>) attributes {dimension_semantics = [#tpu.dimension_semantics<arbitrary>], iteration_bounds = array<i64: 13>, scalar_prefetch = 0 : i64, scratch_operands = 0 : i64, tpu.core_type = #tpu.core_type<tc>, window_params = [{transform_indices = @transform_0, window_bounds = array<i64: 4096, 128>}, {transform_indices = @transform_1, window_bounds = array<i64: 4096, 128>}, {transform_indices = @transform_2, window_bounds = array<i64: 4096, 1>}, {pipeline_mode = #tpu.pipeline_mode<synchronous>, transform_indices = @transform_3, window_bounds = array<i64: 128, 128>}, {pipeline_mode = #tpu.pipeline_mode<synchronous>, transform_indices = @transform_4, window_bounds = array<i64: 128, 128>}, {transform_indices = @transform_5, window_bounds = array<i64: 128, 4096>}]} {
    %get3A = arith.constant 0 : index
    %get3A_0 = arith.constant 0 : index
    %get3A_1 = vector.load %arg2[%get3A, %get3A_0] : memref<4096x128xf32, #tpu.memory_space<vmem>>, vector<4096x128xf32>
    %get3A_2 = arith.constant 0 : index
    %get3A_3 = arith.constant 0 : index
    %get3A_4 = vector.load %arg3[%get3A_2, %get3A_3] : memref<4096x1xf32, #tpu.memory_space<vmem>>, vector<4096x1xf32>
    %mul3A = vector.broadcast %get3A_4 : vector<4096x1xf32> to vector<4096x128xf32>
    %mul3A_5 = arith.mulf %get3A_1, %mul3A : vector<4096x128xf32>
    %get3A_6 = arith.constant 0 : index
    %get3A_7 = arith.constant 0 : index
    %get3A_8 = vector.load %arg4[%get3A_6, %get3A_7] : memref<128x128xf32, #tpu.memory_space<vmem>>, vector<128x128xf32>
    %get3A_9 = arith.constant 0 : index
    %get3A_10 = arith.constant 0 : index
    %get3A_11 = vector.load %arg1[%get3A_9, %get3A_10] : memref<4096x128xf32, #tpu.memory_space<vmem>>, vector<4096x128xf32>
    %dot_general3A = arith.constant dense<0.000000e+00> : vector<128x4096xf32>
    %dot_general3A_12 = tpu.matmul %get3A_8, %get3A_11, %dot_general3A {dimension_numbers = #tpu.dot_dimension_numbers<[1], [1], [0], [0], [0, 0, 1, 0], [], []>, transpose_lhs_hint = false} : vector<128x128xf32>, vector<4096x128xf32>, vector<128x4096xf32> -> vector<128x4096xf32>
    %get3A_13 = arith.constant 0 : index
    %get3A_14 = arith.constant 0 : index
    %get3A_15 = vector.load %arg5[%get3A_13, %get3A_14] : memref<128x128xf32, #tpu.memory_space<vmem>>, vector<128x128xf32>
    %dot_general3A_16 = arith.constant dense<0.000000e+00> : vector<128x4096xf32>
    %dot_general3A_17 = tpu.matmul %get3A_15, %mul3A_5, %dot_general3A_16 {dimension_numbers = #tpu.dot_dimension_numbers<[1], [1], [0], [0], [0, 0, 1, 0], [], []>, transpose_lhs_hint = false} : vector<128x128xf32>, vector<4096x128xf32>, vector<128x4096xf32> -> vector<128x4096xf32>
    %add3A = arith.addf %dot_general3A_12, %dot_general3A_17 : vector<128x4096xf32>
    %max3A = arith.constant 0.000000e+00 : f32
    %max3A_18 = vector.broadcast %max3A : f32 to vector<128x4096xf32>
    %max3A_19 = arith.maximumf %add3A, %max3A_18 : vector<128x4096xf32>
    %swap3A = arith.constant 0 : index
    %swap3A_20 = arith.constant 0 : index
    %swap3A_21 = vector.load %arg6[%swap3A, %swap3A_20] : memref<128x4096xf32, #tpu.memory_space<vmem>>, vector<128x4096xf32>
    tpu.vector_store %arg6[%swap3A, %swap3A_20], %max3A_19 {strides = array<i32>} : memref<128x4096xf32, #tpu.memory_space<vmem>>, vector<128x4096xf32>,
    return
  }
  func.func @transform_0(%arg0: i32) -> (i32, i32) {
    %c0_i32 = arith.constant 0 : i32
    %c0_i32_0 = arith.constant 0 : i32
    return %arg0, %c0_i32 : i32, i32
  }
  func.func @transform_1(%arg0: i32) -> (i32, i32) {
    %c0_i32 = arith.constant 0 : i32
    %c0_i32_0 = arith.constant 0 : i32
    return %arg0, %c0_i32 : i32, i32
  }
  func.func @transform_2(%arg0: i32) -> (i32, i32) {
    %c0_i32 = arith.constant 0 : i32
    %c0_i32_0 = arith.constant 0 : i32
    return %arg0, %c0_i32 : i32, i32
  }
  func.func @transform_3(%arg0: i32) -> (i32, i32) {
    %c0_i32 = arith.constant 0 : i32
    %c0_i32_0 = arith.constant 0 : i32
    %c0_i32_1 = arith.constant 0 : i32
    return %c0_i32, %c0_i32_0 : i32, i32
  }
  func.func @transform_4(%arg0: i32) -> (i32, i32) {
    %c0_i32 = arith.constant 0 : i32
    %c0_i32_0 = arith.constant 0 : i32
    %c0_i32_1 = arith.constant 0 : i32
    return %c0_i32, %c0_i32_0 : i32, i32
  }
  func.func @transform_5(%arg0: i32) -> (i32, i32) {
    %c0_i32 = arith.constant 0 : i32
    %c0_i32_0 = arith.constant 0 : i32
    return %c0_i32, %arg0 : i32, i32
  }
}

</mosaic_0001>

<sc_bundles>
// kernel: gather_offload_async_start
scs
__scs_entry_jumppad:
0x0: {  	(pc) =	sbr.rel $0x88, $3  }
0x1: {  	(tag) =	ssettag $0x0;
	lr =	simm.s32 $0x1  }
0x2: {  	[smem:$0x3F9C] =	sst lr;
	_ =	strace $0xD0000000  }
0x3: {  	_ = 	snop  }
0x4: {  	_ = 	snop  }
0x5: {  	_ = 	snop  }
0x6: {  	_ = 	snop  }
0x7: {  	_ = 	snop  }
__scs_overlays_trampoline_lowered:
0x8: {  	[smem:$0x3FAB] =	sst s0  }
0x9: {  	[smem:$0x3FAC] =	sst s1  }
0xa: {  	[smem:$0x3FAD] =	sst s2  }
0xb: {  	[smem:$0x3FAE] =	sst s3  }
0xc: {  	[smem:$0x3FAF] =	sst s4  }
0xd: {  	[smem:$0x3FB0] =	sst s5  }
0xe: {  	[smem:$0x3FB1] =	sst s6  }
0xf: {  	[smem:$0x3FB2] =	sst s7  }
0x10: {  	[smem:$0x3FB3] =	sst s8  }
0x11: {  	[smem:$0x3FB4] =	sst s9;
	s0 =	simm.s32 @!p0 $0x0  }
0x12: {  	s1 =	sld [smem:$0x3F9A];
	s0 =	simm.s32 @p0 $0x1  }
0x13: {  	[smem:$0x3FB5] =	sst s0;
	s0 =	simm.s32 @!p1 $0x0  }
0x14: {  	s2 =	sld [smem:$0x3F99];
	s0 =	simm.s32 @p1 $0x1  }
0x15: {  	[smem:$0x3FB6] =	sst s0;
	s0 =	simm.s32 @!p2 $0x0  }
0x16: {  	s3 =	sld [smem:$0x3FDB];
	s0 =	simm.s32 @p2 $0x1  }
0x17: {  	s4 =	simm.s32 $0x1BF5;
	[smem:$0x3FB8] =	sst s0  }
0x18: {  	s0 =	sld [smem:$0x3F9B];
	_ =	swait.ge [sflag:s4], $0x0  }
0x19: {  	s7 =	sld [smem:$0x3F9C]  }
0x1a: {  	s8 =	sadd.s32 $0xFFFFE003, lr  }
0x1b: {  	s9 =	sadd.s32 $0xFFFFFEF7, lr;
	s5 =	simm.s32 $0xFFFFFFFF;
	p2 =	slt.u32 s8, $0xFFFFF086  }
0x1c: {  	p1 =	slt.u32 s9, $0xF7A;
	s5 =	simm.s32 @!p2 $0x0  }
0x1d: {  	s5 =	simm.s32 @p1 $0x1;
	p0 =	seq.s32 s7, s2  }
0x1e: {  	s7 =	smul.u32 @!p0 $0xF7A, s2;
	p2 =	seq.s32 @!p0 s5, $0x0  }
0x1f: {  	s9 =	smul.u32 $0xF7A, s1;
	s8 =	simm.s32 @!p0 $0x1BF5;
	p2 =	por !p2, p0  }
0x20: {  	[sflag:s8] =	ssyncset.s32 @!p0 $0xFFFFF086;
	s6 =	sadd.s32 @!p0 s3, s7;
	s7 =	simm.s32 @!p0 $0x108  }
0x21: {  	s3 =	sadd.s32 s3, s9;
	s6 =	sadd.s32 @!p0 $0x88, s6;
	s7 =	simm.s32 @p2 $0x1082  }
0x22: {  	[simem:s7], [sflag:s8] =	dma.local @!p0 [hbm:s6], $0xF7A  }
0x23: {  	s9 =	sor.u32 $0xD0000000, s2;
	s6 =	simm.s32 $0x108;
	_ =	swait.ge @!p0 [sflag:s8], $0x0  }
0x24: {  	s3 =	sadd.s32 $0x88, s3;
	s6 =	simm.s32 @!p1 $0x1082;
	[sflag:s4] =	ssyncset.s32 $0xFFFFF086  }
0x25: {  	[simem:s6], [sflag:s4] =	dma.local [hbm:s3], $0xF7A  }
0x26: {  	[smem:$0x3F9C] =	sst s1;
	(tag) =	ssettag s2;
	_ =	strace s9  }
0x27: {  	s1 =	sld [smem:$0x3FAC]  }
0x28: {  	s2 =	sld [smem:$0x3FAD]  }
0x29: {  	s4 =	sld [smem:$0x3FAF]  }
0x2a: {  	p0 =	seq.s32 s5, $0x0;
	s5 =	sld [smem:$0x3FB0]  }
0x2b: {  	s6 =	sld [smem:$0x3FB1]  }
0x2c: {  	s7 =	sld [smem:$0x3FB2]  }
0x2d: {  	s3 =	simm.s32 $0x108;
	s8 =	sld [smem:$0x3FB3]  }
0x2e: {  	s3 =	simm.s32 @!p0 $0x1082;
	s9 =	sld [smem:$0x3FB4]  }
0x2f: {  	lr =	sadd.s32 s0, s3;
	s0 =	sld [smem:$0x3FAB]  }
0x30: {  	s3 =	sld [smem:$0x3FAE]  }
0x31: {  	[smem:$0x3FB7] =	sst s10  }
0x32: {  	s10 =	sld [smem:$0x3FB5];
	_ =	sdelay $0x3  }
0x33: {  	p0 =	seq.s32 s10, $0x1;
	s10 =	sld [smem:$0x3FB7];
	_ =	sdelay $0x3  }
0x34: {  	[smem:$0x3FB7] =	sst s10  }
0x35: {  	s10 =	sld [smem:$0x3FB6];
	_ =	sdelay $0x3  }
0x36: {  	p1 =	seq.s32 s10, $0x1;
	s10 =	sld [smem:$0x3FB7];
	_ =	sdelay $0x3  }
0x37: {  	[smem:$0x3FB7] =	sst s10  }
0x38: {  	s10 =	sld [smem:$0x3FB8]  }
0x39: {  	_ = 	snop;
	(pc) =	sbr.ind lr, $3  }
0x3a: {  	_ = 	snop  }
0x3b: {  	_ = 	snop  }
0x3c: {  	p2 =	seq.s32 s10, $0x1;
	s10 =	sld [smem:$0x3FB7]  }
0x3d: {  	_ =	shalt  }
0x3e: {  	_ =	shalt  }
0x3f: {  	_ =	shalt  }
0x40: {  	_ =	shalt  }
0x41: {  	_ =	shalt  }
0x42: {  	_ =	shalt  }
0x43: {  	_ =	shalt  }
0x44: {  	_ =	shalt  }
0x45: {  	_ =	shalt  }
0x46: {  	_ =	shalt  }
0x47: {  	_ =	shalt  }
0x48: {  	_ =	shalt  }
0x49: {  	_ =	shalt  }
0x4a: {  	_ =	shalt  }
0x4b: {  	_ =	shalt  }
0x4c: {  	_ =	shalt  }
0x4d: {  	_ =	shalt  }
0x4e: {  	_ =	shalt  }
0x4f: {  	_ =	shalt  }
0x50: {  	_ =	shalt  }
0x51: {  	_ =	shalt  }
0x52: {  	_ =	shalt  }
0x53: {  	_ =	shalt  }
0x54: {  	_ =	shalt  }
0x55: {  	_ =	shalt  }
0x56: {  	_ =	shalt  }
0x57: {  	_ =	shalt  }
0x58: {  	_ =	shalt  }
0x59: {  	_ =	shalt  }
0x5a: {  	_ =	shalt  }
0x5b: {  	_ =	shalt  }
0x5c: {  	_ =	shalt  }
0x5d: {  	_ =	shalt  }
0x5e: {  	_ =	shalt  }
0x5f: {  	_ =	shalt  }
0x60: {  	_ =	shalt  }
0x61: {  	_ =	shalt  }
0x62: {  	_ =	shalt  }
0x63: {  	_ =	shalt  }
0x64: {  	_ =	shalt  }
0x65: {  	_ =	shalt  }
0x66: {  	_ =	shalt  }
0x67: {  	_ =	shalt  }
0x68: {  	_ =	shalt  }
0x69: {  	_ =	shalt  }
0x6a: {  	_ =	shalt  }
0x6b: {  	_ =	shalt  }
0x6c: {  	_ =	shalt  }
0x6d: {  	_ =	shalt  }
0x6e: {  	_ =	shalt  }
0x6f: {  	_ =	shalt  }
0x70: {  	_ =	shalt  }
0x71: {  	_ =	shalt  }
0x72: {  	_ =	shalt  }
0x73: {  	_ =	shalt  }
0x74: {  	_ =	shalt  }
0x75: {  	_ =	shalt  }
0x76: {  	_ =	shalt  }
0x77: {  	_ =	shalt  }
0x78: {  	_ =	shalt  }
0x79: {  	_ =	shalt  }
0x7a: {  	_ =	shalt  }
0x7b: {  	_ =	shalt  }
0x7c: {  	_ =	shalt  }
0x7d: {  	_ =	shalt  }
0x7e: {  	_ =	shalt  }
0x7f: {  	_ =	shalt  }
0x80: {  	_ =	shalt  }
0x81: {  	_ =	shalt  }
0x82: {  	_ =	shalt  }
0x83: {  	_ =	shalt  }
0x84: {  	_ =	shalt  }
0x85: {  	_ =	shalt  }
0x86: {  	_ =	shalt  }
0x87: {  	_ =	shalt  }
.Lfunc_end0:
.L_simem_size_0:
called_computation_lowered:
.L_overlay_start_0:
0x88: {  	s2 =	sld [smem:$0x3FD9]  }
0x89: {  	s3 =	sld [smem:$0x3FFE];
	_ =	sdelay $0x1  }
0x8a: {  	s1 =	srdreg.scid  }
0x8b: {  	s0 =	sand.u32 $0x1, s1  }
0x8c: {  	s16 =	sshll.u32 s0, $0xA;
	s2 =	sadd.s32 s3, s2  }
0x8d: {  	s2 =	sadd.s32 s2, s16  }
0x8e: {  	[smem:$0x3FC3] =	sst s2  }
0x8f: {  	_ = 	snop  }
0x90: {  	(tm) =	ssettm $0x1  }
0x91: {  	s17 =	sld [smem:$0x3FFB];
	_ =	sdelay $0x3  }
0x92: {  	_ =	strace s17  }
0x93: {  	s2 =	sld [smem:$0x3FFC];
	_ =	sdelay $0x3  }
0x94: {  	_ =	strace s2  }
0x95: {  	s2 =	sld [smem:$0x3FFD];
	_ =	sdelay $0x3  }
0x96: {  	_ =	strace s2  }
0x97: {  	_ =	strace $0x8FFFFFFF  }
0x98: {  	s18 =	sld [smem:$0x3FDB];
	_ =	sdelay $0x1  }
0x99: {  	s19 =	simm.s32 $_scs_section_size  }
0x9a: {  	s4 =	simm.s32 $_size__tile_overlayer_lowered;
	s5 =	simm.s32 $_tile_overlayer_lowered  }
0x9b: {  	s22 =	simm.s32 $0x1BFF;
	s21 =	sshll.u32 s5, $0x1;
	s2 =	sadd.s32 s19, s18  }
0x9c: {  	s6 =	simm.s32 $0x0;
	s20 =	sshll.u32 s4, $0x1;
	s4 =	sadd.s32 s21, s2  }
0x9d: {  	[timem:s6], [sflag:s22] =	dma.local [hbm:s4], s20  }
0x9e: {  	_ =	swait.ge [sflag:s22], s20  }
0x9f: {  	s3 =	ssub.s32 $0x0, s20;
	[sflag:s22] =	ssyncset.done $0x0  }
0xa0: {  	[sflag:s22] =	ssyncadd.s32 s3;
	_ =	sdelay $0x1  }
0xa1: {  	s23 =	simm.s32 $0x1B8B  }
0xa2: {  	_ =	swait.ge [sflag:s23], $0x1  }
0xa3: {  	[sflag:s23] =	ssyncset.done $0x0  }
0xa4: {  	s25 =	simm.s32 $0x1B8E;
	s24 =	sld [smem:$0x3FFE];
	[sflag:s23] =	ssyncadd.s32 $0xFFFFFFFF  }
0xa5: {  	s26 =	simm.s32 $execute0_lowered;
	[smem:$0x3FD2] =	sst s25  }
0xa6: {  	s4 =	sshll.u32 s26, $0x1;
	_ =	strace $0x80000046;
	[dreg:$0x1] =	wrdreg $0xFFFFFFFF  }
0xa7: {  	s28 =	simm.s32 $_size_execute0_lowered;
	s2 =	sadd.s32 s2, s4;
	[dreg:$0x0] =	wrdreg $0x0  }
0xa8: {  	s4 =	sshll.u32 s28, $0x1;
	[dreg:$0x2] =	wrdreg s2  }
0xa9: {  	[dreg:$0x3] =	wrdreg s4  }
0xaa: {  	[dreg:$0x4] =	wrdreg $0xC0  }
0xab: {  	_ =	task [dreg:s6], $0x5FFFF  }
0xac: {  	[dreg:$0x1] =	wrdreg $0xFFFFFFFF  }
0xad: {  	[dreg:$0x0] =	wrdreg $0x60  }
0xae: {  	[dreg:$0x2] =	wrdreg s24  }
0xaf: {  	[dreg:$0x3] =	wrdreg $0x9  }
0xb0: {  	_ =	task.clear_ibuf [dreg:s6], $0x4FFFF;
	_ =	strace $0x90000046  }
0xb1: {  	s29 =	simm.s32 $0x9;
	_ =	strace $0x80000048  }
0xb2: {  	_ =	swait.ge [sflag:s29], $0x1  }
0xb3: {  	[sflag:s29] =	ssyncadd.s32 $0xFFFFFFFF  }
0xb4: {  	_ =	strace $0x90000048  }
0xb5: {  	_ =	sfence  }
0xb6: {  	s30 =	sld [smem:$0x0];
	_ =	sdelay $0x2  }
0xb7: {  	s31 =	sshll.u32 s1, $0xD;
	s1 =	sshrl.u32 s1, $0x2  }
0xb8: {  	s3 =	sand.u32 $0x4000, s31;
	s1 =	sadd.s32 s1, s30  }
0xb9: {  	s0 =	sor.u32 s3, s0;
	s1 =	sshll.u32 s1, $0x11  }
0xba: {  	s0 =	sor.u32 s1, s0  }
0xbb: {  	s0 =	sadd.s32 $0x8F2B, s0  }
0xbc: {  	[sflag:s0] =	ssyncadd.remote.s32 $0x1  }
0xbd: {  	_ =	sfence.sel $0xFFFF  }
0xbe: {  	[dreg:$0x0] =	wrdreg $0xFFFFFFFF;
	(pc) =	sbr.abs _section_cstart, $3  }
0xbf: {  	[dreg:$0x1] =	wrdreg $0xFFFFFFFF  }
0xc0: {  	_ =	task.clear_ibuf [dreg:s6], $0x2FFFF;
	_ =	strace $0x9FFFFFFF  }
0xc1: {  	(tm) =	ssettm $0x7FFFFFFF  }
tec
execute0_lowered:
.L_overlay_start_1:
0x0: {  	(tag) =	ssettag $0x1  }
0x1: {  	s7 =	rddreg [dreg:$0x0]  }
0x2: {  	s1 =	srdreg.scid;
	s0 =	rddreg [dreg:$0x1]  }
0x3: {  	_ =	strace $0x80000047;
	s3 =	simm.s32 $0x1;
	s5 =	simm.s32 $0x2  }
0x4: {  	s9 =	simm.s32 $0x3;
	s11 =	simm.s32 $0x0;
	s2 =	sshll.u32 s1, $0x4  }
.Ltmp0:
0x5: {  	s1 =	stileid.u32;
	s4 =	sand.u32 $0x10, s2;
	(pc) =	sbr.rel .LBB2_1-.Ltmp0, $4  }
0x6: {  	p0 =	por $0x0, $0x0;
	[sflag:s3] =	ssyncpa.u1 $0x0;
	s4 =	sor.u32 s1, s4  }
0x7: {  	s6 =	sadd.s32 $0x3E00, s7;
	[sflag:s5] =	ssyncpa.u1 $0x0;
	s4 =	smul.u32 $0x640, s4  }
0x8: {  	s2 =	sadd.s32 $0x26600, s7;
	s7 =	sadd.s32 $0x1AD000, s7;
	[sflag:s9] =	ssyncpa.u1 $0x0  }
0x9: {  	vm0 =	vmmov $0xff;
	vm1 =	vcmask $0x3F20;
	s9 =	simm.s32 $0x0;
	s8 =	sadd.s32 $0x640, s4;
	s10 =	smov.u32 s4  }
.LBB2_6:
0xa: {  	[hbm:s15] =	stream.linear.scatter [tilespmem:s12], [sflag:$0x3], $0x400, $0x38;
	[tilespmem:$0x14280] =	vst v63  }
.LBB2_7:
0xb: {  	p1 =	slt.u32 s9, $0x2;
	s11 =	sadd.s32 $0x140, s10  }
0xc: {  	s13 =	smov.u32 s4;
	s9 =	sadd.s32 $0x1, s9;
	p2 =	slt.s32 s11, s8  }
0xd: {  	s13 =	smov.u32 @p2 s11;
	p2 =	sne.s32 s9, $0x7  }
.Ltmp1:
0xe: {  	_ = 	snop;
	(pc) =	sbr.rel @!p2 .LBB2_8-.Ltmp1, $4  }
0xf: {  	s12 =	simm.s32 @!p1 $0x3  }
0x10: {  	_ =	swait.ge @!p1 [sflag:s12], $0xA000  }
0x11: {  	p0 =	por !p0, !p0;
	[sflag:s12] =	ssyncset.done @!p1 $0x0  }
0x12: {  	s11 =	smov.u32 s10;
	s10 =	smov.u32 s13;
	[sflag:s12] =	ssyncadd.s32 @!p1 $0xFFFF6000  }
.LBB2_1:
0x13: {  	p1 =	sgt.u32 s9, $0x4  }
0x14: {  	s12 =	sxor.u32 @!p1 $0xFFFFFFFF, s9  }
0x15: {  	s12 =	sand.u32 @!p1 $0x1, s12  }
0x16: {  	s12 =	smul.u32 @!p1 $0x500, s12  }
0x17: {  	s31 =	sadd.s32 $0xFFFFFFFF, s9;
	s13 =	sshrl.u32 @!p1 s10, $0x3  }
0x18: {  	s14 =	sand.u32 @!p1 $0x7, s10;
	s13 =	sadd.s32 @!p1 s6, s13;
	s12 =	sshrl.u32 @!p1 s12, $0x2  }
0x19: {  	[tilespmem:s12], [sflag:$0x2] =	stream.linear.gather @!p1 [hbm4b:s13+s14], $0x140, $0x38;
	[tilespmem:$0x14280] =	vst v63  }
0x1a: {  	p1 =	sgt.u32 s31, $0x4  }
.Ltmp2:
0x1b: {  	_ = 	snop;
	(pc) =	sbr.rel @p1 .LBB2_7-.Ltmp2, $1  }
0x1c: {  	_ =	sdelay $0x3  }
0x1d: {  	s12 =	simm.s32 $0x1  }
0x1e: {  	s12 =	simm.s32 @!p0 $0x0  }
0x1f: {  	s13 =	smul.u32 $0x500, s12  }
0x20: {  	_ =	swait.ge [sflag:s5], $0x140  }
0x21: {  	[sflag:s5] =	ssyncset.done $0x0;
	s14 =	sshrl.u32 s13, $0x2  }
0x22: {  	[sflag:s5] =	ssyncadd.s32 $0xFFFFFEC0;
	s13 =	sadd.s32 $0x0, s14  }
0x23: {  	v0 =	vld.msk [tilespmem:s13+$0x0 ss:$0x1], $0xffff;
	_ =	sdelay $0x4  }
0x24: {  	vm2 =	vgt.s32 v0, $0x0  }
0x25: {  	v0 =	vnsel vm2, $0x0, v0  }
0x26: {  	v0 =	vmin.u32 v0, $0x1869F  }
0x27: {  	v0 =	vshll.u32 v0, $0x4  }
0x28: {  	s12 =	smul.u32 $0x28000, s12;
	_ =	sdelay $0x1  }
0x29: {  	s12 =	sshrl.u32 s12, $0x2  }
0x2a: {  	s12 =	sor.u32 $0x280, s12  }
0x2b: {  	[tilespmem:s12], [sflag:$0x1] =	stream.indirect_vreg.gather [hbm:s2], $0x80, v0, vm0, $0x38;
	[tilespmem:$0x14280] =	vst v63  }
0x2c: {  	s15 =	sadd.s32 $0x10, s14;
	s13 =	sadd.s32 $0x400, s12  }
0x2d: {  	[tilespmem:s13], [sflag:$0x1] =	stream.indirect_vreg.gather [hbm:s2], $0x80, v0, vm1, $0x38;
	[tilespmem:$0x14280] =	vst v63  }
0x2e: {  	s16 =	simm.s32 $0x80;
	v0 =	vld.msk [tilespmem:s15+$0x0 ss:$0x1], $0xffff;
	s15 =	smov.u32 s12  }
.LBB2_3:
0x2f: {  	p1 =	sne.s32 s16, $0x4C0;
	_ =	sdelay $0x4  }
0x30: {  	vm2 =	vgt.s32 v0, $0x0  }
0x31: {  	v0 =	vnsel vm2, $0x0, v0  }
0x32: {  	v0 =	vmin.u32 v0, $0x1869F  }
0x33: {  	v0 =	vshll.u32 v0, $0x4;
	_ =	sdelay $0x3  }
.Ltmp3:
0x34: {  	s17 =	sshra.s32 s16, $0x2;
	s15 =	sadd.s32 $0x800, s15;
	(pc) =	sbr.rel @p1 .LBB2_3-.Ltmp3, $4  }
0x35: {  	[tilespmem:s15], [sflag:$0x1] =	stream.indirect_vreg.gather [hbm:s2], $0x80, v0, vm0, $0x38;
	[tilespmem:$0x14280] =	vst v63  }
0x36: {  	s17 =	sadd.s32 s17, s14;
	s18 =	sadd.s32 $0x400, s15  }
0x37: {  	[tilespmem:s18], [sflag:$0x1] =	stream.indirect_vreg.gather [hbm:s2], $0x80, v0, vm1, $0x38;
	[tilespmem:$0x14280] =	vst v63  }
0x38: {  	s16 =	sadd.s32 $0x40, s16;
	v0 =	vld.msk [tilespmem:s17+$0x0 ss:$0x1], $0xffff  }
0x39: {  	_ =	sdelay $0x3  }
0x3a: {  	vm2 =	vgt.s32 v0, $0x0  }
0x3b: {  	v0 =	vnsel vm2, $0x0, v0  }
0x3c: {  	v0 =	vmin.u32 v0, $0x1869F  }
0x3d: {  	v0 =	vshll.u32 v0, $0x4;
	_ =	sdelay $0x3  }
0x3e: {  	s14 =	sadd.s32 $0x800, s15  }
0x3f: {  	[tilespmem:s14], [sflag:$0x1] =	stream.indirect_vreg.gather [hbm:s2], $0x80, v0, vm0, $0x38;
	[tilespmem:$0x14280] =	vst v63  }
0x40: {  	s14 =	sadd.s32 $0x400, s14  }
0x41: {  	[tilespmem:s14], [sflag:$0x1] =	stream.indirect_vreg.gather [hbm:s2], $0x80, v0, vm1, $0x38;
	[tilespmem:$0x14280] =	vst v63  }
0x42: {  	s11 =	sshll.u32 s11, $0x4;
	_ =	swait.ge [sflag:s3], $0xA000  }
0x43: {  	s11 =	sadd.s32 s11, s7;
	[sflag:s3] =	ssyncset.done $0x0  }
0x44: {  	s15 =	sadd.s32 $0x0, s11;
	s14 =	simm.s32 $0x80;
	[sflag:s3] =	ssyncadd.s32 $0xFFFF6000  }
.LBB2_5:
0x45: {  	[hbm:s15] =	stream.linear.scatter [tilespmem:s12], [sflag:$0x3], $0x400, $0x38;
	[tilespmem:$0x14280] =	vst v63  }
0x46: {  	s15 =	smov.u32 s14;
	s12 =	smov.u32 s13;
	p1 =	sne.s32 s14, $0x1380  }
.Ltmp4:
0x47: {  	s14 =	sadd.s32 $0x80, s14;
	(pc) =	sbr.rel @p1 .LBB2_5-.Ltmp4, $2  }
0x48: {  	_ =	sdelay $0x2  }
0x49: {  	s13 =	sadd.s32 $0x400, s13;
	s15 =	sadd.s32 s15, s11  }
.Ltmp5:
0x4a: {  	_ = 	snop;
	(pc) =	sbr.rel .LBB2_6-.Ltmp5, $1  }
0x4b: {  	_ =	sdelay $0x3  }
.LBB2_8:
0x4c: {  	_ =	sfence.sel $0x180000  }
0x4d: {  	s2 =	simm.s32 $0x2;
	[bflag:$0x0] =	sbarrier.arrive $0xFFFF  }
0x4e: {  	s30 =	simm.s32 $0x3;
	[sflag:s2] =	ssyncpa.u1 $0x1  }
0x4f: {  	s31 =	simm.s32 $0x1;
	[sflag:s30] =	ssyncpa.u1 $0x1  }
0x50: {  	[sflag:s31] =	ssyncpa.u1 $0x1  }
0x51: {  	p0 =	sne.s32 s1, $0x0;
	_ =	strace $0x90000047  }
0x52: {  	s0 =	sadd.s32 @!p0 $0x100000, s0;
	[bflag:$0x2] =	sbarrier.arrive $0xFFFF  }
0x53: {  	[sflag:s0] =	ssyncadd.tile.s32 @!p0 $0x1;
	_ =	shalt  }
.Lfunc_end2:
_tile_overlayer_lowered:
.L_overlay_start_2:
0x54: {  	(tag) =	ssettag $0x2  }
0x55: {  	s0 =	rddreg [dreg:$0x0];
	s2 =	stileid.u32  }
0x56: {  	s1 =	rddreg [dreg:$0x1];
	p0 =	sne.s32 s2, $0x0  }
0x57: {  	s3 =	rddreg [dreg:$0x2];
	[bflag:$0x3] =	sbarrier.arrive $0xFFFF;
	s2 =	simm.s32 @!p0 $0x1C01  }
0x58: {  	[timem:s3], [sflag:s2] =	dma.local @!p0 [hbm:s0], s1  }
0x59: {  	s0 =	simm.s32 @!p0 $0x1  }
0x5a: {  	_ =	swait.ge @!p0 [sflag:s0], s1  }
0x5b: {  	s1 =	ssub.s32 @!p0 $0x0, s1;
	[sflag:s0] =	ssyncset.done @!p0 $0x0  }
0x5c: {  	[sflag:s0] =	ssyncadd.s32 @!p0 s1  }
0x5d: {  	[bflag:$0x3] =	sbarrier.arrive $0xFFFF  }
0x5e: {  	_ =	shalt  }

// kernel: kernel.4.cloned.1.call-start
scs
__scs_entry_jumppad:
0x0: {  	(pc) =	sbr.rel $0x88, $3  }
0x1: {  	(tag) =	ssettag $0x0;
	lr =	simm.s32 $0x1  }
0x2: {  	[smem:$0x3F9C] =	sst lr;
	_ =	strace $0xD0000000  }
0x3: {  	_ = 	snop  }
0x4: {  	_ = 	snop  }
0x5: {  	_ = 	snop  }
0x6: {  	_ = 	snop  }
0x7: {  	_ = 	snop  }
__scs_overlays_trampoline_lowered:
0x8: {  	[smem:$0x3FAB] =	sst s0  }
0x9: {  	[smem:$0x3FAC] =	sst s1  }
0xa: {  	[smem:$0x3FAD] =	sst s2  }
0xb: {  	[smem:$0x3FAE] =	sst s3  }
0xc: {  	[smem:$0x3FAF] =	sst s4  }
0xd: {  	[smem:$0x3FB0] =	sst s5  }
0xe: {  	[smem:$0x3FB1] =	sst s6  }
0xf: {  	[smem:$0x3FB2] =	sst s7  }
0x10: {  	[smem:$0x3FB3] =	sst s8  }
0x11: {  	[smem:$0x3FB4] =	sst s9;
	s0 =	simm.s32 @!p0 $0x0  }
0x12: {  	s1 =	sld [smem:$0x3F9A];
	s0 =	simm.s32 @p0 $0x1  }
0x13: {  	[smem:$0x3FB5] =	sst s0;
	s0 =	simm.s32 @!p1 $0x0  }
0x14: {  	s2 =	sld [smem:$0x3F99];
	s0 =	simm.s32 @p1 $0x1  }
0x15: {  	[smem:$0x3FB6] =	sst s0;
	s0 =	simm.s32 @!p2 $0x0  }
0x16: {  	s3 =	sld [smem:$0x3FDB];
	s0 =	simm.s32 @p2 $0x1  }
0x17: {  	s4 =	simm.s32 $0x1BF5;
	[smem:$0x3FB8] =	sst s0  }
0x18: {  	s0 =	sld [smem:$0x3F9B];
	_ =	swait.ge [sflag:s4], $0x0  }
0x19: {  	s7 =	sld [smem:$0x3F9C]  }
0x1a: {  	s8 =	sadd.s32 $0xFFFFE003, lr  }
0x1b: {  	s9 =	sadd.s32 $0xFFFFFEF7, lr;
	s5 =	simm.s32 $0xFFFFFFFF;
	p2 =	slt.u32 s8, $0xFFFFF086  }
0x1c: {  	p1 =	slt.u32 s9, $0xF7A;
	s5 =	simm.s32 @!p2 $0x0  }
0x1d: {  	s5 =	simm.s32 @p1 $0x1;
	p0 =	seq.s32 s7, s2  }
0x1e: {  	s7 =	smul.u32 @!p0 $0xF7A, s2;
	p2 =	seq.s32 @!p0 s5, $0x0  }
0x1f: {  	s9 =	smul.u32 $0xF7A, s1;
	s8 =	simm.s32 @!p0 $0x1BF5;
	p2 =	por !p2, p0  }
0x20: {  	[sflag:s8] =	ssyncset.s32 @!p0 $0xFFFFF086;
	s6 =	sadd.s32 @!p0 s3, s7;
	s7 =	simm.s32 @!p0 $0x108  }
0x21: {  	s3 =	sadd.s32 s3, s9;
	s6 =	sadd.s32 @!p0 $0x88, s6;
	s7 =	simm.s32 @p2 $0x1082  }
0x22: {  	[simem:s7], [sflag:s8] =	dma.local @!p0 [hbm:s6], $0xF7A  }
0x23: {  	s9 =	sor.u32 $0xD0000000, s2;
	s6 =	simm.s32 $0x108;
	_ =	swait.ge @!p0 [sflag:s8], $0x0  }
0x24: {  	s3 =	sadd.s32 $0x88, s3;
	s6 =	simm.s32 @!p1 $0x1082;
	[sflag:s4] =	ssyncset.s32 $0xFFFFF086  }
0x25: {  	[simem:s6], [sflag:s4] =	dma.local [hbm:s3], $0xF7A  }
0x26: {  	[smem:$0x3F9C] =	sst s1;
	(tag) =	ssettag s2;
	_ =	strace s9  }
0x27: {  	s1 =	sld [smem:$0x3FAC]  }
0x28: {  	s2 =	sld [smem:$0x3FAD]  }
0x29: {  	s4 =	sld [smem:$0x3FAF]  }
0x2a: {  	p0 =	seq.s32 s5, $0x0;
	s5 =	sld [smem:$0x3FB0]  }
0x2b: {  	s6 =	sld [smem:$0x3FB1]  }
0x2c: {  	s7 =	sld [smem:$0x3FB2]  }
0x2d: {  	s3 =	simm.s32 $0x108;
	s8 =	sld [smem:$0x3FB3]  }
0x2e: {  	s3 =	simm.s32 @!p0 $0x1082;
	s9 =	sld [smem:$0x3FB4]  }
0x2f: {  	lr =	sadd.s32 s0, s3;
	s0 =	sld [smem:$0x3FAB]  }
0x30: {  	s3 =	sld [smem:$0x3FAE]  }
0x31: {  	[smem:$0x3FB7] =	sst s10  }
0x32: {  	s10 =	sld [smem:$0x3FB5];
	_ =	sdelay $0x3  }
0x33: {  	p0 =	seq.s32 s10, $0x1;
	s10 =	sld [smem:$0x3FB7];
	_ =	sdelay $0x3  }
0x34: {  	[smem:$0x3FB7] =	sst s10  }
0x35: {  	s10 =	sld [smem:$0x3FB6];
	_ =	sdelay $0x3  }
0x36: {  	p1 =	seq.s32 s10, $0x1;
	s10 =	sld [smem:$0x3FB7];
	_ =	sdelay $0x3  }
0x37: {  	[smem:$0x3FB7] =	sst s10  }
0x38: {  	s10 =	sld [smem:$0x3FB8]  }
0x39: {  	_ = 	snop;
	(pc) =	sbr.ind lr, $3  }
0x3a: {  	_ = 	snop  }
0x3b: {  	_ = 	snop  }
0x3c: {  	p2 =	seq.s32 s10, $0x1;
	s10 =	sld [smem:$0x3FB7]  }
0x3d: {  	_ =	shalt  }
0x3e: {  	_ =	shalt  }
0x3f: {  	_ =	shalt  }
0x40: {  	_ =	shalt  }
0x41: {  	_ =	shalt  }
0x42: {  	_ =	shalt  }
0x43: {  	_ =	shalt  }
0x44: {  	_ =	shalt  }
0x45: {  	_ =	shalt  }
0x46: {  	_ =	shalt  }
0x47: {  	_ =	shalt  }
0x48: {  	_ =	shalt  }
0x49: {  	_ =	shalt  }
0x4a: {  	_ =	shalt  }
0x4b: {  	_ =	shalt  }
0x4c: {  	_ =	shalt  }
0x4d: {  	_ =	shalt  }
0x4e: {  	_ =	shalt  }
0x4f: {  	_ =	shalt  }
0x50: {  	_ =	shalt  }
0x51: {  	_ =	shalt  }
0x52: {  	_ =	shalt  }
0x53: {  	_ =	shalt  }
0x54: {  	_ =	shalt  }
0x55: {  	_ =	shalt  }
0x56: {  	_ =	shalt  }
0x57: {  	_ =	shalt  }
0x58: {  	_ =	shalt  }
0x59: {  	_ =	shalt  }
0x5a: {  	_ =	shalt  }
0x5b: {  	_ =	shalt  }
0x5c: {  	_ =	shalt  }
0x5d: {  	_ =	shalt  }
0x5e: {  	_ =	shalt  }
0x5f: {  	_ =	shalt  }
0x60: {  	_ =	shalt  }
0x61: {  	_ =	shalt  }
0x62: {  	_ =	shalt  }
0x63: {  	_ =	shalt  }
0x64: {  	_ =	shalt  }
0x65: {  	_ =	shalt  }
0x66: {  	_ =	shalt  }
0x67: {  	_ =	shalt  }
0x68: {  	_ =	shalt  }
0x69: {  	_ =	shalt  }
0x6a: {  	_ =	shalt  }
0x6b: {  	_ =	shalt  }
0x6c: {  	_ =	shalt  }
0x6d: {  	_ =	shalt  }
0x6e: {  	_ =	shalt  }
0x6f: {  	_ =	shalt  }
0x70: {  	_ =	shalt  }
0x71: {  	_ =	shalt  }
0x72: {  	_ =	shalt  }
0x73: {  	_ =	shalt  }
0x74: {  	_ =	shalt  }
0x75: {  	_ =	shalt  }
0x76: {  	_ =	shalt  }
0x77: {  	_ =	shalt  }
0x78: {  	_ =	shalt  }
0x79: {  	_ =	shalt  }
0x7a: {  	_ =	shalt  }
0x7b: {  	_ =	shalt  }
0x7c: {  	_ =	shalt  }
0x7d: {  	_ =	shalt  }
0x7e: {  	_ =	shalt  }
0x7f: {  	_ =	shalt  }
0x80: {  	_ =	shalt  }
0x81: {  	_ =	shalt  }
0x82: {  	_ =	shalt  }
0x83: {  	_ =	shalt  }
0x84: {  	_ =	shalt  }
0x85: {  	_ =	shalt  }
0x86: {  	_ =	shalt  }
0x87: {  	_ =	shalt  }
.Lfunc_end0:
.L_simem_size_0:
called_computation.1_lowered:
.L_overlay_start_0:
0x88: {  	s2 =	sld [smem:$0x3FD9]  }
0x89: {  	s3 =	sld [smem:$0x3FFE];
	_ =	sdelay $0x1  }
0x8a: {  	s1 =	srdreg.scid  }
0x8b: {  	s0 =	sand.u32 $0x1, s1  }
0x8c: {  	s17 =	sshll.u32 s0, $0xA;
	s2 =	sadd.s32 s3, s2  }
0x8d: {  	s2 =	sadd.s32 s2, s17  }
0x8e: {  	[smem:$0x3FC3] =	sst s2  }
0x8f: {  	_ = 	snop  }
0x90: {  	s2 =	sld [smem:$0x3FC9]  }
0x91: {  	s18 =	sld [smem:$0x3FC8]  }
0x92: {  	s4 =	sld [smem:$0x3FD0];
	(tm) =	ssettm $0x1  }
0x93: {  	s5 =	sld [smem:$0x3FFB];
	_ =	sdelay $0x3  }
0x94: {  	_ =	strace s5  }
0x95: {  	s5 =	sld [smem:$0x3FFC];
	_ =	sdelay $0x3  }
0x96: {  	_ =	strace s5  }
0x97: {  	s5 =	sld [smem:$0x3FFD];
	_ =	sdelay $0x3  }
0x98: {  	_ =	strace s5  }
0x99: {  	_ =	strace $0x8FFFFFFF  }
0x9a: {  	s19 =	sld [smem:$0x3FDB];
	_ =	sdelay $0x1  }
0x9b: {  	s6 =	simm.s32 $_scs_section_size  }
0x9c: {  	s7 =	simm.s32 $_size__tile_overlayer_lowered;
	s8 =	simm.s32 $_tile_overlayer_lowered  }
0x9d: {  	s22 =	simm.s32 $0x1BFF;
	s21 =	sshll.u32 s8, $0x1;
	s5 =	sadd.s32 s6, s19  }
0x9e: {  	s9 =	simm.s32 $0x0;
	s20 =	sshll.u32 s7, $0x1;
	s7 =	sadd.s32 s21, s5  }
0x9f: {  	[timem:s9], [sflag:s22] =	dma.local [hbm:s7], s20  }
0xa0: {  	_ =	swait.ge [sflag:s22], s20  }
0xa1: {  	s6 =	ssub.s32 $0x0, s20;
	[sflag:s22] =	ssyncset.done $0x0  }
0xa2: {  	[sflag:s22] =	ssyncadd.s32 s6;
	_ =	sdelay $0x1  }
0xa3: {  	s23 =	simm.s32 $0x1B8B  }
0xa4: {  	_ =	swait.ge [sflag:s23], $0x1  }
0xa5: {  	[sflag:s23] =	ssyncset.done $0x0  }
0xa6: {  	s25 =	simm.s32 $0x1B8E;
	s24 =	sld [smem:$0x3FFE];
	[sflag:s23] =	ssyncadd.s32 $0xFFFFFFFF  }
0xa7: {  	s26 =	simm.s32 $execute0_lowered;
	[smem:$0x3FD2] =	sst s25  }
0xa8: {  	s7 =	sshll.u32 s26, $0x1;
	_ =	strace $0x80000049;
	[dreg:$0x1] =	wrdreg $0xFFFFFFFF  }
0xa9: {  	s28 =	simm.s32 $_size_execute0_lowered;
	s5 =	sadd.s32 s5, s7;
	[dreg:$0x0] =	wrdreg $0x0  }
0xaa: {  	s7 =	sshll.u32 s28, $0x1;
	[dreg:$0x2] =	wrdreg s5  }
0xab: {  	[dreg:$0x3] =	wrdreg s7  }
0xac: {  	[dreg:$0x4] =	wrdreg $0xC0  }
0xad: {  	_ =	task [dreg:s9], $0x5FFFF  }
0xae: {  	[dreg:$0x1] =	wrdreg $0xFFFFFFFF  }
0xaf: {  	[dreg:$0x0] =	wrdreg $0x60  }
0xb0: {  	[dreg:$0x2] =	wrdreg s2  }
0xb1: {  	[dreg:$0x3] =	wrdreg s18  }
0xb2: {  	[dreg:$0x4] =	wrdreg s24  }
0xb3: {  	[dreg:$0x5] =	wrdreg s4  }
0xb4: {  	[dreg:$0x6] =	wrdreg $0x1B1000  }
0xb5: {  	[dreg:$0x7] =	wrdreg $0x9  }
0xb6: {  	_ =	task.clear_ibuf [dreg:s9], $0x8FFFF;
	_ =	strace $0x90000049  }
0xb7: {  	s29 =	simm.s32 $0x9;
	_ =	strace $0x8000004B  }
0xb8: {  	_ =	swait.ge [sflag:s29], $0x1  }
0xb9: {  	[sflag:s29] =	ssyncadd.s32 $0xFFFFFFFF  }
0xba: {  	_ =	strace $0x9000004B  }
0xbb: {  	_ =	sfence  }
0xbc: {  	s30 =	sld [smem:$0x0];
	_ =	sdelay $0x2  }
0xbd: {  	s31 =	sshll.u32 s1, $0xD;
	s1 =	sshrl.u32 s1, $0x2  }
0xbe: {  	s3 =	sand.u32 $0x4000, s31;
	s1 =	sadd.s32 s1, s30  }
0xbf: {  	s0 =	sor.u32 s3, s0;
	s1 =	sshll.u32 s1, $0x11  }
0xc0: {  	s0 =	sor.u32 s1, s0  }
0xc1: {  	s0 =	sadd.s32 $0x8F2B, s0  }
0xc2: {  	[sflag:s0] =	ssyncadd.remote.s32 $0x1  }
0xc3: {  	_ =	sfence.sel $0xFFFF  }
0xc4: {  	[dreg:$0x0] =	wrdreg $0xFFFFFFFF;
	(pc) =	sbr.abs _section_cstart, $3  }
0xc5: {  	[dreg:$0x1] =	wrdreg $0xFFFFFFFF  }
0xc6: {  	_ =	task.clear_ibuf [dreg:s9], $0x2FFFF;
	_ =	strace $0x9FFFFFFF  }
0xc7: {  	(tm) =	ssettm $0x7FFFFFFF  }
tec
execute0_lowered:
.L_overlay_start_1:
0x0: {  	(tag) =	ssettag $0x1  }
0x1: {  	s2 =	rddreg [dreg:$0x1]  }
0x2: {  	s0 =	rddreg [dreg:$0x2]  }
0x3: {  	s1 =	rddreg [dreg:$0x3]  }
0x4: {  	s4 =	rddreg [dreg:$0x4]  }
0x5: {  	s3 =	simm.s32 $0x0;
	s5 =	stileid.u32;
	s7 =	srdreg.scid  }
0x6: {  	s28 =	simm.s32 $0x8100;
	s29 =	simm.s32 $0xC100;
	s14 =	smul.u32 $0xC800, s5  }
0x7: {  	s30 =	simm.s32 $0x10100;
	s31 =	simm.s32 $0x14100;
	s9 =	smul.u32 $0xC80, s5  }
0x8: {  	[smem:$0x7FF] =	sst s3;
	s6 =	sadd.s32 $0x5800, s0;
	s13 =	smul.u32 $0x12000, s5  }
0x9: {  	s7 =	sand.u32 $0x1, s7;
	s10 =	sadd.s32 $0x7200, s0;
	s18 =	smul.u32 $0x1900, s5  }
0xa: {  	s12 =	sadd.s32 $0x3600, s0;
	_ =	strace $0x8000004A;
	s11 =	smul.u32 $0x640, s7  }
0xb: {  	s8 =	ssub.s32 $0x2, s7;
	[dreg:$0x7] =	wrdreg s12;
	s21 =	smul.u32 $0xC80, s7  }
0xc: {  	[dreg:$0x6] =	wrdreg s6;
	s7 =	smul.u32 $0x6400, s7;
	s12 =	simm.s32 $0x2  }
0xd: {  	s0 =	sadd.s32 s14, s0;
	s15 =	sshrl.u32 s8, $0x1;
	s20 =	sshrl.u32 s13, $0x2  }
0xe: {  	s23 =	sadd.s32 s18, s10;
	s3 =	ssub.s32 s8, s15;
	s8 =	smul.u32 $0x90, s5  }
0xf: {  	s9 =	sadd.s32 s11, s9;
	s22 =	sadd.s32 s20, s4;
	s24 =	sadd.s32 s21, s23  }
0x10: {  	s0 =	sadd.s32 s7, s0;
	s23 =	simm.s32 $0x1;
	s7 =	simm.s32 $0x9  }
0x11: {  	s5 =	simm.s32 $0x0;
	s11 =	sshrl.u32 s9, $0x3;
	s16 =	sshll.u32 s9, $0x1  }
0x12: {  	[dreg:$0xb] =	wrdreg s22;
	s3 =	smax.u32 s3, $0x1;
	s15 =	sadd.s32 $0x80, s24  }
0x13: {  	s25 =	sadd.s32 $0x40, s9;
	s26 =	sadd.s32 $0xE8200, s0;
	s0 =	sadd.s32 $0x20200, s0  }
0x14: {  	s22 =	simm.s32 $0x8;
	s9 =	simm.s32 $0xA;
	[dreg:$0xc] =	wrdreg s3  }
0x15: {  	s6 =	sadd.s32 s6, s11;
	s17 =	sadd.s32 s1, s16;
	[dreg:$0xd] =	wrdreg s25  }
0x16: {  	s19 =	sadd.s32 s10, s16;
	s1 =	sadd.s32 s18, s1;
	[dreg:$0xe] =	wrdreg s26  }
0x17: {  	[dreg:$0xf] =	wrdreg s0;
	s25 =	simm.s32 $0x80;
	s26 =	simm.s32 $0x4100  }
0x18: {  	s0 =	simm.s32 $0x4;
	s10 =	simm.s32 $0xB;
	[dreg:$0x8] =	wrdreg s6  }
0x19: {  	s11 =	simm.s32 $0x6;
	[dreg:$0x9] =	wrdreg s17;
	s1 =	sadd.s32 s21, s1  }
0x1a: {  	[dreg:$0xa] =	wrdreg s19;
	s21 =	simm.s32 $0x7;
	s14 =	sadd.s32 $0x80, s1  }
.LBB2_1:
0x1b: {  	[dreg:$0x10] =	wrdreg s5;
	s1 =	simm.s32 $0x0  }
0x1c: {  	s3 =	rddreg [dreg:$0x7];
	s13 =	simm.s32 $0x19100;
	s16 =	simm.s32 $0xC  }
0x1d: {  	[tilespmem:s13], [sflag:$0xC] =	stream.linear.gather [hbm4b:s3+s1], $0x2000, $0x38;
	[tilespmem:$0x1F900] =	vst v63  }
0x1e: {  	_ =	swait.ge [sflag:s16], $0x2000  }
0x1f: {  	s17 =	rddreg [dreg:$0x8]  }
0x20: {  	[sflag:s16] =	ssyncset.done $0x0;
	s18 =	rddreg [dreg:$0x9]  }
0x21: {  	s19 =	rddreg [dreg:$0xa];
	[sflag:s16] =	ssyncadd.s32 $0xFFFFE000  }
0x22: {  	[tilespmem:s1], [sflag:$0x1] =	stream.linear.gather [hbm4b:s17+s1], $0x40, $0x38;
	[tilespmem:$0x1F900] =	vst v63  }
0x23: {  	s6 =	simm.s32 $0x18100;
	s24 =	rddreg [dreg:$0xb]  }
0x24: {  	[tilespmem:s6], [sflag:$0x1] =	stream.linear.gather [hbm4b:s18+s1], $0x400, $0x38;
	[tilespmem:$0x1F900] =	vst v63  }
0x25: {  	s20 =	simm.s32 $0x18900;
	s18 =	rddreg [dreg:$0xf]  }
0x26: {  	[tilespmem:s20], [sflag:$0x1] =	stream.linear.gather [hbm4b:s19+s1], $0x400, $0x38;
	[tilespmem:$0x1F900] =	vst v63  }
0x27: {  	s20 =	rddreg [dreg:$0xe]  }
0x28: {  	[spmem:s24] =	stream.linear.scatter [tilespmem:s13], [sflag:$0x4], $0x2000, $0x38;
	[tilespmem:$0x1F900] =	vst v63  }
0x29: {  	s16 =	simm.s32 $0x0;
	s17 =	simm.s32 $0x0;
	s13 =	rddreg [dreg:$0xd]  }
.LBB2_2:
0x2a: {  	p0 =	slt.u32 s17, $0x2  }
0x2b: {  	s1 =	simm.s32 @!p0 $0x3  }
0x2c: {  	_ =	swait.ge @!p0 [sflag:s1], $0x2000  }
0x2d: {  	[sflag:s1] =	ssyncset.done @!p0 $0x0  }
0x2e: {  	[sflag:s1] =	ssyncadd.s32 @!p0 $0xFFFFE000  }
0x2f: {  	_ =	swait.ge [sflag:s23], $0x40  }
0x30: {  	[sflag:s23] =	ssyncset.done $0x0  }
0x31: {  	[sflag:s23] =	ssyncadd.s32 $0xFFFFFFC0  }
0x32: {  	_ =	swait.ge [sflag:s23], $0x400  }
0x33: {  	[sflag:s23] =	ssyncset.done $0x0  }
0x34: {  	s19 =	sand.u32 $0x1, s17;
	p0 =	seq.s32 s16, $0xC00;
	[sflag:s23] =	ssyncadd.s32 $0xFFFFFC00  }
0x35: {  	s3 =	sxor.u32 $0x1, s19;
	s1 =	sshrl.u32 @!p0 s13, $0x3;
	_ =	swait.ge [sflag:s23], $0x400  }
0x36: {  	s5 =	sshll.u32 @!p0 s3, $0x7;
	[sflag:s23] =	ssyncset.done $0x0;
	s6 =	rddreg [dreg:$0x6]  }
0x37: {  	s24 =	simm.s32 @!p0 $0x0;
	[sflag:s23] =	ssyncadd.s32 $0xFFFFFC00;
	s1 =	sadd.s32 @!p0 s6, s1  }
0x38: {  	[tilespmem:s5], [sflag:$0x1] =	stream.linear.gather @!p0 [hbm4b:s1+s24], $0x40, $0x38;
	[tilespmem:$0x1F900] =	vst v63  }
0x39: {  	s1 =	sshll.u32 @!p0 s3, $0xA  }
0x3a: {  	s6 =	sadd.s32 @!p0 s16, s14;
	s5 =	sor.u32 @!p0 $0x18100, s1  }
0x3b: {  	[tilespmem:s5], [sflag:$0x1] =	stream.linear.gather @!p0 [hbm4b:s6+s24], $0x400, $0x38;
	[tilespmem:$0x1F900] =	vst v63  }
0x3c: {  	s1 =	sor.u32 @!p0 $0x18900, s1;
	s5 =	sadd.s32 @!p0 s16, s15  }
0x3d: {  	[tilespmem:s1], [sflag:$0x1] =	stream.linear.gather @!p0 [hbm4b:s5+s24], $0x400, $0x38;
	[tilespmem:$0x1F900] =	vst v63  }
0x3e: {  	s6 =	sshll.u32 s19, $0xD;
	s5 =	sshll.u32 s19, $0x7  }
0x3f: {  	s1 =	sor.u32 $0x100, s6;
	s6 =	rddreg [dreg:$0x0];
	s24 =	simm.s32 $0x40  }
0x40: {  	[tilespmem:s1], [sflag:$0x2] =	stream.indirect.gather [hbm4b:s6+s24], $0x80, s5, s24, $0xb8;
	[tilespmem:$0x1F900] =	vst v63  }
0x41: {  	s5 =	sshll.u32 s19, $0xA  }
0x42: {  	s24 =	sor.u32 $0x18100, s5  }
0x43: {  	[tilespmem:s26], [sflag:$0x7] =	stream.indirect.gather [hbm4b:s2+s25], $0x80, s24, s25, $0xb8;
	[tilespmem:$0x1F900] =	vst v63  }
0x44: {  	s24 =	sor.u32 $0x18180, s5  }
0x45: {  	[tilespmem:s28], [sflag:$0x8] =	stream.indirect.gather [hbm4b:s2+s25], $0x80, s24, s25, $0xb8;
	[tilespmem:$0x1F900] =	vst v63  }
0x46: {  	s24 =	sor.u32 $0x18200, s5  }
0x47: {  	[tilespmem:s29], [sflag:$0x9] =	stream.indirect.gather [hbm4b:s2+s25], $0x80, s24, s25, $0xb8;
	[tilespmem:$0x1F900] =	vst v63  }
0x48: {  	s24 =	sor.u32 $0x18280, s5  }
0x49: {  	[tilespmem:s30], [sflag:$0xA] =	stream.indirect.gather [hbm4b:s2+s25], $0x80, s24, s25, $0xb8;
	[tilespmem:$0x1F900] =	vst v63  }
0x4a: {  	s24 =	sor.u32 $0x18300, s5  }
0x4b: {  	[tilespmem:s31], [sflag:$0xB] =	stream.indirect.gather [hbm4b:s2+s25], $0x80, s24, s25, $0xb8;
	[tilespmem:$0x1F900] =	vst v63  }
0x4c: {  	_ =	swait.ge [sflag:s0], $0x400  }
0x4d: {  	[sflag:s0] =	ssyncset.done $0x0  }
0x4e: {  	[sflag:s0] =	ssyncadd.s32 $0xFFFFFC00  }
0x4f: {  	_ =	swait.ge [sflag:s21], $0x4000  }
0x50: {  	[sflag:s21] =	ssyncset.done $0x0  }
0x51: {  	s24 =	sor.u32 $0x18900, s5;
	[sflag:s21] =	ssyncadd.s32 $0xFFFFC000  }
0x52: {  	[spmem:s4] =	stream.indirect.scatter.add.f32 [tilespmem:s26], [sflag:$0x6], $0x80, s24, s25, $0xb8;
	[tilespmem:$0x1F900] =	vst v63  }
0x53: {  	_ =	swait.ge [sflag:s22], $0x4000  }
0x54: {  	[sflag:s22] =	ssyncset.done $0x0  }
0x55: {  	s24 =	sor.u32 $0x18980, s5;
	[sflag:s22] =	ssyncadd.s32 $0xFFFFC000  }
0x56: {  	[spmem:s4] =	stream.indirect.scatter.add.f32 [tilespmem:s28], [sflag:$0x6], $0x80, s24, s25, $0xb8;
	[tilespmem:$0x1F900] =	vst v63  }
0x57: {  	_ =	swait.ge [sflag:s7], $0x4000  }
0x58: {  	[sflag:s7] =	ssyncset.done $0x0  }
0x59: {  	s24 =	sor.u32 $0x18A00, s5;
	[sflag:s7] =	ssyncadd.s32 $0xFFFFC000  }
0x5a: {  	[spmem:s4] =	stream.indirect.scatter.add.f32 [tilespmem:s29], [sflag:$0x6], $0x80, s24, s25, $0xb8;
	[tilespmem:$0x1F900] =	vst v63  }
0x5b: {  	_ =	swait.ge [sflag:s9], $0x4000  }
0x5c: {  	[sflag:s9] =	ssyncset.done $0x0  }
0x5d: {  	p0 =	seq.s32 s16, $0x0;
	s24 =	sor.u32 $0x18A80, s5;
	[sflag:s9] =	ssyncadd.s32 $0xFFFFC000  }
0x5e: {  	[spmem:s4] =	stream.indirect.scatter.add.f32 [tilespmem:s30], [sflag:$0x6], $0x80, s24, s25, $0xb8;
	[tilespmem:$0x1F900] =	vst v63  }
0x5f: {  	p1 =	seq.s32 @!p0 s16, $0xC00;
	_ =	swait.ge [sflag:s10], $0x4000  }
0x60: {  	p1 =	por p0, !p1;
	[sflag:s10] =	ssyncset.done $0x0  }
0x61: {  	s3 =	smul.u32 @p1 $0x48, s3;
	s5 =	sor.u32 $0x18B00, s5;
	[sflag:s10] =	ssyncadd.s32 $0xFFFFC000  }
0x62: {  	[spmem:s4] =	stream.indirect.scatter.add.f32 [tilespmem:s31], [sflag:$0x6], $0x80, s5, s25, $0xb8;
	[tilespmem:$0x1F900] =	vst v63  }
0x63: {  	s5 =	simm.s32 @!p0 $0x5  }
0x64: {  	s3 =	sadd.s32 @p1 s8, s3;
	_ =	swait.ge @!p0 [sflag:s5], $0x400  }
0x65: {  	s3 =	sshll.u32 @p1 s3, $0x7;
	[sflag:s5] =	ssyncset.done @!p0 $0x0  }
0x66: {  	s3 =	sadd.s32 @p1 s3, s4;
	[sflag:s5] =	ssyncadd.s32 @!p0 $0xFFFFFC00;
	s5 =	simm.s32 @p1 $0x19100  }
0x67: {  	[spmem:s3] =	stream.linear.scatter @p1 [tilespmem:s5], [sflag:$0x4], $0x2000, $0x38;
	[tilespmem:$0x1F900] =	vst v63  }
0x68: {  	_ =	swait.ge [sflag:s11], $0x4000  }
0x69: {  	[sflag:s11] =	ssyncset.done $0x0  }
0x6a: {  	[sflag:s11] =	ssyncadd.s32 $0xFFFFC000  }
0x6b: {  	_ =	swait.ge [sflag:s11], $0x4000  }
0x6c: {  	[sflag:s11] =	ssyncset.done $0x0  }
0x6d: {  	[sflag:s11] =	ssyncadd.s32 $0xFFFFC000  }
0x6e: {  	_ =	swait.ge [sflag:s11], $0x4000  }
0x6f: {  	[sflag:s11] =	ssyncset.done $0x0  }
0x70: {  	[sflag:s11] =	ssyncadd.s32 $0xFFFFC000  }
0x71: {  	s6 =	smul.u32 $0x48, s19;
	_ =	swait.ge [sflag:s11], $0x4000  }
0x72: {  	s16 =	sadd.s32 $0x80, s16;
	[sflag:s11] =	ssyncset.done $0x0  }
0x73: {  	s19 =	stileid.u32;
	s3 =	sadd.s32 s8, s6;
	[sflag:s11] =	ssyncadd.s32 $0xFFFFC000  }
0x74: {  	p0 =	sne.s32 s16, $0xC80;
	s3 =	sshll.u32 s3, $0x7;
	_ =	swait.ge [sflag:s11], $0x4000  }
0x75: {  	s5 =	sshll.u32 s19, $0x6;
	s3 =	sadd.s32 s3, s4;
	[sflag:s11] =	ssyncset.done $0x0  }
0x76: {  	s5 =	sor.u32 $0x1C05, s5;
	s3 =	sshrl.u32 s3, $0x3;
	[sflag:s11] =	ssyncadd.s32 $0xFFFFC000  }
0x77: {  	[hbm:s20], [sflag:s5] =	dma.local [spmem:s3], $0x400  }
.Ltmp0:
0x78: {  	_ =	swait.ge [sflag:s12], $0x2000;
	(pc) =	sbr.rel @p0 .LBB2_2-.Ltmp0, $4  }
0x79: {  	[sflag:s12] =	ssyncset.done $0x0  }
0x7a: {  	s17 =	sadd.s32 $0x1, s17;
	s24 =	simm.s32 $0x0;
	[sflag:s12] =	ssyncadd.s32 $0xFFFFE000  }
0x7b: {  	[hbm4b:s18+s24] =	stream.linear.scatter [tilespmem:s1], [sflag:$0x3], $0x2000, $0x38;
	[tilespmem:$0x1F900] =	vst v63  }
0x7c: {  	s13 =	sadd.s32 $0x40, s13;
	s20 =	sadd.s32 $0x400, s20;
	s18 =	sadd.s32 $0x400, s18  }
0x7d: {  	s1 =	simm.s32 $0x5  }
0x7e: {  	_ =	swait.ge [sflag:s1], $0x400  }
0x7f: {  	[sflag:s1] =	ssyncset.done $0x0  }
0x80: {  	s3 =	simm.s32 $0x3;
	[sflag:s1] =	ssyncadd.s32 $0xFFFFFC00  }
0x81: {  	_ =	swait.ge [sflag:s3], $0x2000  }
0x82: {  	[sflag:s3] =	ssyncset.done $0x0  }
0x83: {  	[sflag:s3] =	ssyncadd.s32 $0xFFFFE000  }
0x84: {  	_ =	swait.ge [sflag:s3], $0x2000  }
0x85: {  	s5 =	rddreg [dreg:$0x10]  }
0x86: {  	s24 =	rddreg [dreg:$0xc];
	s5 =	sadd.s32 $0x1, s5  }
0x87: {  	p0 =	sne.s32 s5, s24  }
.Ltmp1:
0x88: {  	_ = 	snop;
	(pc) =	sbr.rel @p0 .LBB2_1-.Ltmp1, $3  }
0x89: {  	_ =	sdelay $0x1  }
0x8a: {  	[sflag:s3] =	ssyncset.done $0x0  }
0x8b: {  	[sflag:s3] =	ssyncadd.s32 $0xFFFFE000  }
0x8c: {  	_ =	sfence.sel $0x180000  }
0x8d: {  	[bflag:$0x0] =	sbarrier.arrive $0xFFFF  }
0x8e: {  	_ =	strace $0x9000004A  }
0x8f: {  	s0 =	stileid.u32;
	[bflag:$0x2] =	sbarrier.arrive $0xFFFF  }
0x90: {  	p0 =	sne.s32 s0, $0x0;
	s0 =	rddreg [dreg:$0x5]  }
0x91: {  	s0 =	sadd.s32 @!p0 $0x100000, s0  }
0x92: {  	[sflag:s0] =	ssyncadd.tile.s32 @!p0 $0x1;
	_ =	shalt  }
.Lfunc_end2:
_tile_overlayer_lowered:
.L_overlay_start_2:
0x93: {  	(tag) =	ssettag $0x2  }
0x94: {  	s0 =	rddreg [dreg:$0x0];
	s2 =	stileid.u32  }
0x95: {  	s1 =	rddreg [dreg:$0x1];
	p0 =	sne.s32 s2, $0x0  }
0x96: {  	s3 =	rddreg [dreg:$0x2];
	[bflag:$0x3] =	sbarrier.arrive $0xFFFF;
	s2 =	simm.s32 @!p0 $0x1C0C  }
0x97: {  	[timem:s3], [sflag:s2] =	dma.local @!p0 [hbm:s0], s1  }
0x98: {  	s0 =	simm.s32 @!p0 $0xC  }
0x99: {  	_ =	swait.ge @!p0 [sflag:s0], s1  }
0x9a: {  	s1 =	ssub.s32 @!p0 $0x0, s1;
	[sflag:s0] =	ssyncset.done @!p0 $0x0  }
0x9b: {  	[sflag:s0] =	ssyncadd.s32 @!p0 s1  }
0x9c: {  	[bflag:$0x3] =	sbarrier.arrive $0xFFFF  }
0x9d: {  	_ =	shalt  }

</sc_bundles>
